<compile_context>
chip_gen: v7x
topology: tpu7x:2x2x1
jax: 0.10.2.dev20260603
libtpu: 0.0.44.dev20260713+nightly
codegen_flags: <defaults>
</compile_context>

<pallas_src>
import functools
import jax
import jax.numpy as jnp
from jax import lax
from jax.experimental import pallas as pl
from jax.experimental.pallas import tpu as pltpu, tpu_sc as plsc

N = 50000
E = 1600000
NC, NS, NW = 2, 16, 32
EPT = E // NW
CHA = 10000
EPT_B = E // 4
CHB = 10000

_mesh = plsc.VectorSubcoreMesh(core_axis_name="c", subcore_axis_name="s")
_sc_params = pltpu.CompilerParams(needs_layout_passes=False)

def _zero(ref, n):
    z16 = jnp.zeros((16,), jnp.float32)

    def zb(i, carry):
        ref[pl.ds(i * 16, 16)] = z16
        return carry
    lax.fori_loop(0, n // 16, zb, 0)


@functools.partial(
    pl.kernel,
    out_type=jax.ShapeDtypeStruct((NW * N,), jnp.float32),
    mesh=_mesh,
    compiler_params=_sc_params,
    scratch_types=[
        pltpu.VMEM((N,), jnp.float32),
        pltpu.VMEM((CHA,), jnp.int32),
        pltpu.VMEM((CHA,), jnp.float32),
    ],
)
def _sc_deg(dst_hbm, ew_hbm, out_hbm, acc_v, dst_v, ew_v):
    c = lax.axis_index("c")
    s = lax.axis_index("s")
    wid = s * NC + c
    base = wid * EPT
    _zero(acc_v, N)

    def chunk(ci, carry):
        off = base + ci * CHA
        pltpu.sync_copy(dst_hbm.at[pl.ds(off, CHA)], dst_v)
        pltpu.sync_copy(ew_hbm.at[pl.ds(off, CHA)], ew_v)

        def grp(g, cc):
            o = g * 64
            for j in range(4):
                plsc.addupdate_scatter(acc_v, [dst_v[pl.ds(o + j * 16, 16)]],
                                       ew_v[pl.ds(o + j * 16, 16)])
            return cc

        lax.fori_loop(0, CHA // 64, grp, 0)
        t = (CHA // 64) * 64
        plsc.addupdate_scatter(acc_v, [dst_v[pl.ds(t, 16)]],
                               ew_v[pl.ds(t, 16)])
        return carry

    lax.fori_loop(0, EPT // CHA, chunk, 0)
    pltpu.sync_copy(acc_v, out_hbm.at[pl.ds(wid * N, N)])


@functools.partial(
    pl.kernel,
    out_type=jax.ShapeDtypeStruct((NW * N,), jnp.float32),
    mesh=_mesh,
    compiler_params=_sc_params,
    scratch_types=[
        pltpu.VMEM((N,), jnp.float32),
        pltpu.VMEM((N,), jnp.float32),
        pltpu.VMEM((CHB,), jnp.int32),
        pltpu.VMEM((CHB,), jnp.int32),
        pltpu.VMEM((CHB,), jnp.float32),
    ],
)
def _sc_conv1(src_hbm, dst_hbm, ew_hbm, xcols_hbm, out_hbm,
              col_v, acc_v, src_v, dst_v, ew_v):
    c = lax.axis_index("c")
    s = lax.axis_index("s")
    k = lax.bitwise_and(s, 7)
    q = c * 2 + lax.shift_right_logical(s, 3)
    base = q * EPT_B
    pltpu.sync_copy(xcols_hbm.at[pl.ds(k * N, N)], col_v)
    _zero(acc_v, N)

    def chunk(ci, carry):
        off = base + ci * CHB
        pltpu.sync_copy(src_hbm.at[pl.ds(off, CHB)], src_v)
        pltpu.sync_copy(dst_hbm.at[pl.ds(off, CHB)], dst_v)
        pltpu.sync_copy(ew_hbm.at[pl.ds(off, CHB)], ew_v)

        def grp(g, cc):
            o = g * 128
            vs = []
            for j in range(8):
                s16 = src_v[pl.ds(o + j * 16, 16)]
                vs.append(plsc.load_gather(col_v, [s16])
                          * ew_v[pl.ds(o + j * 16, 16)])
            for j in range(8):
                plsc.addupdate_scatter(acc_v, [dst_v[pl.ds(o + j * 16, 16)]],
                                       vs[j])
            return cc

        lax.fori_loop(0, CHB // 128, grp, 0)
        t = (CHB // 128) * 128
        s16t = src_v[pl.ds(t, 16)]
        vt = plsc.load_gather(col_v, [s16t]) * ew_v[pl.ds(t, 16)]
        plsc.addupdate_scatter(acc_v, [dst_v[pl.ds(t, 16)]], vt)
        return carry

    lax.fori_loop(0, EPT_B // CHB, chunk, 0)
    r = k * 4 + q
    pltpu.sync_copy(acc_v, out_hbm.at[pl.ds(r * N, N)])


@functools.partial(
    pl.kernel,
    out_type=jax.ShapeDtypeStruct((NW * N,), jnp.float32),
    mesh=_mesh,
    compiler_params=_sc_params,
    scratch_types=[
        pltpu.VMEM((N,), jnp.float32),
        pltpu.VMEM((N,), jnp.float32),
        pltpu.VMEM((CHA,), jnp.int32),
        pltpu.VMEM((CHA,), jnp.int32),
        pltpu.VMEM((CHA,), jnp.float32),
    ],
)
def _sc_conv2(src_hbm, dst_hbm, ew_hbm, u_hbm, out_hbm,
              u_v, acc_v, src_v, dst_v, ew_v):
    c = lax.axis_index("c")
    s = lax.axis_index("s")
    wid = s * NC + c
    base = wid * EPT
    pltpu.sync_copy(u_hbm, u_v)
    _zero(acc_v, N)

    def chunk(ci, carry):
        off = base + ci * CHA
        pltpu.sync_copy(src_hbm.at[pl.ds(off, CHA)], src_v)
        pltpu.sync_copy(dst_hbm.at[pl.ds(off, CHA)], dst_v)
        pltpu.sync_copy(ew_hbm.at[pl.ds(off, CHA)], ew_v)

        def grp(g, cc):
            o = g * 64
            vs = []
            for j in range(4):
                s16 = src_v[pl.ds(o + j * 16, 16)]
                vs.append(plsc.load_gather(u_v, [s16])
                          * ew_v[pl.ds(o + j * 16, 16)])
            for j in range(4):
                plsc.addupdate_scatter(acc_v, [dst_v[pl.ds(o + j * 16, 16)]],
                                       vs[j])
            return cc

        lax.fori_loop(0, CHA // 64, grp, 0)
        t = (CHA // 64) * 64
        s16t = src_v[pl.ds(t, 16)]
        vt = plsc.load_gather(u_v, [s16t]) * ew_v[pl.ds(t, 16)]
        plsc.addupdate_scatter(acc_v, [dst_v[pl.ds(t, 16)]], vt)
        return carry

    lax.fori_loop(0, EPT // CHA, chunk, 0)
    pltpu.sync_copy(acc_v, out_hbm.at[pl.ds(wid * N, N)])


def _tc1_body(degp_ref, xT_ref, xcols_ref, dinv_ref):
    deg = 1.0 + jnp.sum(degp_ref[...], axis=0)
    dinv = 1.0 / jnp.sqrt(deg)
    dinv_ref[...] = dinv
    xcols_ref[...] = xT_ref[...] * dinv[None, :]


def _tc1(degp, xT):
    return pl.pallas_call(
        _tc1_body,
        out_shape=(
            jax.ShapeDtypeStruct((8, N), jnp.float32),
            jax.ShapeDtypeStruct((N,), jnp.float32),
        ),
    )(degp, xT)


def _tc2_body(yp_ref, xT_ref, dinv_ref, W1_ref, b1_ref, lnwT_ref, lnbT_ref,
              W2_ref, Wl_ref, b2_ref, bl_ref, u_ref, v_ref):
    dinv = dinv_ref[...]
    yT = jnp.sum(yp_ref[...], axis=1)
    tT = dinv[None, :] * yT + (dinv * dinv)[None, :] * xT_ref[...]
    x1T = lax.dot_general(W1_ref[...], tT, (((0,), (0,)), ((), ())),
                          precision=lax.Precision.HIGHEST,
                          preferred_element_type=jnp.float32) + b1_ref[...][:, None]
    mu = jnp.mean(x1T)
    var = jnp.mean((x1T - mu) ** 2)
    rs = 1.0 / jnp.sqrt(var + 1e-5)
    xlnT = (x1T - mu) * rs * lnwT_ref[...] + lnbT_ref[...]
    wl_row = Wl_ref[...][0]
    w2l = jnp.sum(W2_ref[...] * wl_row[None, :], axis=1)
    z = jnp.sum(w2l[:, None] * xlnT, axis=0)
    c2 = jnp.sum(b2_ref[...] * wl_row) + bl_ref[...][0]
    u_ref[...] = dinv * z
    v_ref[...] = dinv * dinv * z + c2


def _tc2(yp, xT, dinv, W1, b1, lnwT, lnbT, W2, Wl, b2, bl):
    return pl.pallas_call(
        _tc2_body,
        out_shape=(
            jax.ShapeDtypeStruct((N,), jnp.float32),
            jax.ShapeDtypeStruct((N,), jnp.float32),
        ),
    )(yp, xT, dinv, W1, b1, lnwT, lnbT, W2, Wl, b2, bl)


def _tc3_body(gp_ref, dinv_ref, v_ref, out_ref):
    g = jnp.sum(gp_ref[...], axis=0)
    out_ref[...] = dinv_ref[...] * g + v_ref[...]


def _tc3(gp, dinv, v):
    return pl.pallas_call(
        _tc3_body,
        out_shape=jax.ShapeDtypeStruct((N,), jnp.float32),
    )(gp, dinv, v)


def kernel(x, edge, edge_weight, W1, b1, W2, b2, ln_w, ln_b, Wl, bl):
    src = edge[0].astype(jnp.int32)
    dst = edge[1].astype(jnp.int32)
    ew = edge_weight
    xT = x.T
    lnwT = ln_w.T
    lnbT = ln_b.T

    degp = _sc_deg(dst, ew).reshape(NW, N)
    xcols, dinv = _tc1(degp, xT)
    yp = _sc_conv1(src, dst, ew, xcols.reshape(-1)).reshape(8, 4, N)
    u, v = _tc2(yp, xT, dinv, W1, b1, lnwT, lnbT, W2, Wl, b2, bl)
    gp = _sc_conv2(src, dst, ew, u).reshape(NW, N)
    out = _tc3(gp, dinv, v)
    return out.reshape(N, 1)

# --- scband reference (transcript-rebuilt; emitter-appended) ---
"""Pipeline reference for scband-output-layer2-43662637531578 (READ-ONLY COPY).

The authoritative reference and input builder live on the scoring server;
editing this copy changes nothing except your own understanding.
"""

import jax, jax.numpy as jnp
import numpy as np

N_NODES = 50000
N_EDGES = 1600000


def gcn_conv(x, src, dst, ew, W, b, num_nodes):
    # PyG GCNConv with edge_weight: add self-loops (weight 1), symmetric norm
    loop = jnp.arange(num_nodes)
    src_f = jnp.concatenate([src, loop])
    dst_f = jnp.concatenate([dst, loop])
    ew_f = jnp.concatenate([ew, jnp.ones((num_nodes,), dtype=ew.dtype)])
    deg = jnp.zeros((num_nodes,), dtype=ew.dtype).at[dst_f].add(ew_f)
    dinv = jnp.where(deg > 0, 1.0 / jnp.sqrt(deg), 0.0)
    norm = dinv[src_f] * ew_f * dinv[dst_f]
    h = x @ W
    msg = h[src_f] * norm[:, None]
    out = jnp.zeros((num_nodes, h.shape[1]), dtype=h.dtype).at[dst_f].add(msg)
    return out + b


def setup_inputs(seed: int = 0) -> dict:
    key = jax.random.key(seed)
    ks = jax.random.split(key, 10)
    x = jax.random.normal(ks[0], (N_NODES, 8), dtype=jnp.float32)
    edge = jax.random.randint(ks[1], (2, N_EDGES), 0, N_NODES, dtype=jnp.int64)
    edge_weight = jax.random.uniform(ks[2], (N_EDGES,), dtype=jnp.float32)
    # GCNConv(8,16) params
    W1 = jax.random.normal(ks[3], (8, 16), dtype=jnp.float32) * 0.35
    b1 = jnp.zeros((16,), dtype=jnp.float32)
    # GCNConv(16,8) params
    W2 = jax.random.normal(ks[4], (16, 8), dtype=jnp.float32) * 0.25
    b2 = jnp.zeros((8,), dtype=jnp.float32)
    # LayerNorm([N,16]) affine params
    ln_w = jnp.ones((N_NODES, 16), dtype=jnp.float32)
    ln_b = jnp.zeros((N_NODES, 16), dtype=jnp.float32)
    # fc.linear (8 -> 1)
    Wl = jax.random.normal(ks[5], (1, 8), dtype=jnp.float32) * 0.35
    bl = jnp.zeros((1,), dtype=jnp.float32)
    return {"x": x, "edge": edge, "edge_weight": edge_weight,
            "W1": W1, "b1": b1, "W2": W2, "b2": b2,
            "ln_w": ln_w, "ln_b": ln_b, "Wl": Wl, "bl": bl}


def reference(x, edge, edge_weight, W1, b1, W2, b2, ln_w, ln_b, Wl, bl):
    src, dst = edge[0], edge[1]
    x_t1 = gcn_conv(x, src, dst, edge_weight, W1, b1, N_NODES)
    # nn.LayerNorm([n,16]): normalize over the last two dims (the whole [N,16] tensor)
    mu = jnp.mean(x_t1)
    var = jnp.mean((x_t1 - mu) ** 2)
    x_ln = (x_t1 - mu) / jnp.sqrt(var + 1e-5) * ln_w + ln_b
    x_t2 = gcn_conv(x_ln, src, dst, edge_weight, W2, b2, N_NODES)
    return x_t2 @ Wl.T + bl

if __name__ == "__main__":
    import jax
    _d = setup_inputs()
    print(jax.jit(kernel)(*tuple(_d.values())))

</pallas_src>

<mosaic_0001>
#map = affine_map<(d0, d1) -> (0)>
module attributes {stable_mosaic.version = 14 : i64} {
  func.func @_sc_conv1(%arg0: i32, %arg1: i32, %arg2: memref<1600000xi32, #tpu.memory_space<hbm>>, %arg3: memref<1600000xi32, #tpu.memory_space<hbm>>, %arg4: memref<1600000xf32, #tpu.memory_space<hbm>>, %arg5: memref<400000xf32, #tpu.memory_space<hbm>>, %arg6: memref<1600000xf32, #tpu.memory_space<hbm>>, %arg7: memref<50000xf32, #tpu.memory_space<vmem>>, %arg8: memref<50000xf32, #tpu.memory_space<vmem>>, %arg9: memref<10000xi32, #tpu.memory_space<vmem>>, %arg10: memref<10000xi32, #tpu.memory_space<vmem>>, %arg11: memref<10000xf32, #tpu.memory_space<vmem>>) attributes {dimension_semantics = [#tpu.dimension_semantics<core_parallel>, #tpu.dimension_semantics<subcore_parallel>], iteration_bounds = array<i64: 2, 16>, scalar_prefetch = 0 : i64, scratch_operands = 5 : i64, tpu.core_type = #tpu.core_type<sc_vector_subcore>, window_params = [{transform_indices = #map}, {transform_indices = #map}, {transform_indices = #map}, {transform_indices = #map}, {transform_indices = #map}]} {
    %and3A = arith.constant 7 : i32
    %and3A_0 = arith.andi %arg1, %and3A : i32
    %mul3A = arith.constant 2 : i32
    %mul3A_1 = arith.muli %arg0, %mul3A : i32
    %shift_right_logical3A = arith.constant 3 : i32
    %shift_right_logical3A_2 = arith.shrui %arg1, %shift_right_logical3A : i32
    %add3A = arith.addi %mul3A_1, %shift_right_logical3A_2 : i32
    %mul3A_3 = arith.constant 400000 : i32
    %mul3A_4 = arith.muli %add3A, %mul3A_3 : i32
    %mul3A_5 = arith.constant 50000 : i32
    %mul3A_6 = arith.muli %and3A_0, %mul3A_5 : i32
    "tpu.region"() ({
      %run_scoped3A = tpu.sem_alloc : memref<!tpu.dma_semaphore, #tpu.memory_space<semaphore_mem>>
      %dma_start3A = tpu.memref_slice %arg5[%mul3A_6] : memref<400000xf32, #tpu.memory_space<hbm>> -> memref<50000xf32, #tpu.memory_space<hbm>>
      %dma_start3A_24 = tpu.memref_slice %arg5[%mul3A_6] : memref<400000xf32, #tpu.memory_space<hbm>> -> memref<50000xf32, #tpu.memory_space<hbm>>
      tpu.enqueue_dma source(%dma_start3A_24 : memref<50000xf32, #tpu.memory_space<hbm>>) target(%arg7 : memref<50000xf32, #tpu.memory_space<vmem>>) target_semaphore(%run_scoped3A : memref<!tpu.dma_semaphore, #tpu.memory_space<semaphore_mem>>)
      %dma_wait3A = tpu.memref_slice %arg5[%mul3A_6] : memref<400000xf32, #tpu.memory_space<hbm>> -> memref<50000xf32, #tpu.memory_space<hbm>>
      %dma_wait3A_25 = tpu.memref_slice %arg5[%mul3A_6] : memref<400000xf32, #tpu.memory_space<hbm>> -> memref<50000xf32, #tpu.memory_space<hbm>>
      tpu.wait_dma2 semaphore(%run_scoped3A : memref<!tpu.dma_semaphore, #tpu.memory_space<semaphore_mem>>) src(%dma_wait3A_25 : memref<50000xf32, #tpu.memory_space<hbm>>) dst(%arg7 : memref<50000xf32, #tpu.memory_space<vmem>>)
      tpu.yield
    }) : () -> ()
    %broadcast_in_dim3A = arith.constant 0.000000e+00 : f32
    %broadcast_in_dim3A_7 = vector.broadcast %broadcast_in_dim3A : f32 to vector<16xf32>
    %scan3A = arith.constant 0 : i32
    %scan3A_8 = arith.constant 0 : i32
    %scan3A_9 = arith.constant 3125 : i32
    %scan3A_10 = arith.addi %scan3A_8, %scan3A_9 : i32
    %scan3A_11 = arith.constant 1 : i32
    scf.for %scan3A_24 = %scan3A_8 to %scan3A_10 step %scan3A_11  : i32 {
      %mul3A_25 = arith.constant 16 : i32
      %mul3A_26 = arith.muli %scan3A_24, %mul3A_25 : i32
      %swap3A = arith.index_cast %mul3A_26 : i32 to index
      %swap3A_27 = tpu.vector_load %arg8[%swap3A] {strides = array<i32>} : memref<50000xf32, #tpu.memory_space<vmem>>, vector<16xf32>,
      tpu.vector_store %arg8[%swap3A], %broadcast_in_dim3A_7 {strides = array<i32>} : memref<50000xf32, #tpu.memory_space<vmem>>, vector<16xf32>,
    }
    %scan3A_12 = arith.constant 3125 : i32
    %scan3A_13 = arith.constant 0 : i32
    %scan3A_14 = arith.constant 0 : i32
    %scan3A_15 = arith.constant 40 : i32
    %scan3A_16 = arith.addi %scan3A_14, %scan3A_15 : i32
    %scan3A_17 = arith.constant 1 : i32
    scf.for %scan3A_24 = %scan3A_14 to %scan3A_16 step %scan3A_17  : i32 {
      %mul3A_25 = arith.constant 10000 : i32
      %mul3A_26 = arith.muli %scan3A_24, %mul3A_25 : i32
      %add3A_27 = arith.addi %mul3A_4, %mul3A_26 : i32
      "tpu.region"() ({
        %run_scoped3A = tpu.sem_alloc : memref<!tpu.dma_semaphore, #tpu.memory_space<semaphore_mem>>
        %dma_start3A = tpu.memref_slice %arg2[%add3A_27] : memref<1600000xi32, #tpu.memory_space<hbm>> -> memref<10000xi32, #tpu.memory_space<hbm>>
        %dma_start3A_40 = tpu.memref_slice %arg2[%add3A_27] : memref<1600000xi32, #tpu.memory_space<hbm>> -> memref<10000xi32, #tpu.memory_space<hbm>>
        tpu.enqueue_dma source(%dma_start3A_40 : memref<10000xi32, #tpu.memory_space<hbm>>) target(%arg9 : memref<10000xi32, #tpu.memory_space<vmem>>) target_semaphore(%run_scoped3A : memref<!tpu.dma_semaphore, #tpu.memory_space<semaphore_mem>>)
        %dma_wait3A = tpu.memref_slice %arg2[%add3A_27] : memref<1600000xi32, #tpu.memory_space<hbm>> -> memref<10000xi32, #tpu.memory_space<hbm>>
        %dma_wait3A_41 = tpu.memref_slice %arg2[%add3A_27] : memref<1600000xi32, #tpu.memory_space<hbm>> -> memref<10000xi32, #tpu.memory_space<hbm>>
        tpu.wait_dma2 semaphore(%run_scoped3A : memref<!tpu.dma_semaphore, #tpu.memory_space<semaphore_mem>>) src(%dma_wait3A_41 : memref<10000xi32, #tpu.memory_space<hbm>>) dst(%arg9 : memref<10000xi32, #tpu.memory_space<vmem>>)
        tpu.yield
      }) : () -> ()
      "tpu.region"() ({
        %run_scoped3A = tpu.sem_alloc : memref<!tpu.dma_semaphore, #tpu.memory_space<semaphore_mem>>
        %dma_start3A = tpu.memref_slice %arg3[%add3A_27] : memref<1600000xi32, #tpu.memory_space<hbm>> -> memref<10000xi32, #tpu.memory_space<hbm>>
        %dma_start3A_40 = tpu.memref_slice %arg3[%add3A_27] : memref<1600000xi32, #tpu.memory_space<hbm>> -> memref<10000xi32, #tpu.memory_space<hbm>>
        tpu.enqueue_dma source(%dma_start3A_40 : memref<10000xi32, #tpu.memory_space<hbm>>) target(%arg10 : memref<10000xi32, #tpu.memory_space<vmem>>) target_semaphore(%run_scoped3A : memref<!tpu.dma_semaphore, #tpu.memory_space<semaphore_mem>>)
        %dma_wait3A = tpu.memref_slice %arg3[%add3A_27] : memref<1600000xi32, #tpu.memory_space<hbm>> -> memref<10000xi32, #tpu.memory_space<hbm>>
        %dma_wait3A_41 = tpu.memref_slice %arg3[%add3A_27] : memref<1600000xi32, #tpu.memory_space<hbm>> -> memref<10000xi32, #tpu.memory_space<hbm>>
        tpu.wait_dma2 semaphore(%run_scoped3A : memref<!tpu.dma_semaphore, #tpu.memory_space<semaphore_mem>>) src(%dma_wait3A_41 : memref<10000xi32, #tpu.memory_space<hbm>>) dst(%arg10 : memref<10000xi32, #tpu.memory_space<vmem>>)
        tpu.yield
      }) : () -> ()
      "tpu.region"() ({
        %run_scoped3A = tpu.sem_alloc : memref<!tpu.dma_semaphore, #tpu.memory_space<semaphore_mem>>
        %dma_start3A = tpu.memref_slice %arg4[%add3A_27] : memref<1600000xf32, #tpu.memory_space<hbm>> -> memref<10000xf32, #tpu.memory_space<hbm>>
        %dma_start3A_40 = tpu.memref_slice %arg4[%add3A_27] : memref<1600000xf32, #tpu.memory_space<hbm>> -> memref<10000xf32, #tpu.memory_space<hbm>>
        tpu.enqueue_dma source(%dma_start3A_40 : memref<10000xf32, #tpu.memory_space<hbm>>) target(%arg11 : memref<10000xf32, #tpu.memory_space<vmem>>) target_semaphore(%run_scoped3A : memref<!tpu.dma_semaphore, #tpu.memory_space<semaphore_mem>>)
        %dma_wait3A = tpu.memref_slice %arg4[%add3A_27] : memref<1600000xf32, #tpu.memory_space<hbm>> -> memref<10000xf32, #tpu.memory_space<hbm>>
        %dma_wait3A_41 = tpu.memref_slice %arg4[%add3A_27] : memref<1600000xf32, #tpu.memory_space<hbm>> -> memref<10000xf32, #tpu.memory_space<hbm>>
        tpu.wait_dma2 semaphore(%run_scoped3A : memref<!tpu.dma_semaphore, #tpu.memory_space<semaphore_mem>>) src(%dma_wait3A_41 : memref<10000xf32, #tpu.memory_space<hbm>>) dst(%arg11 : memref<10000xf32, #tpu.memory_space<vmem>>)
        tpu.yield
      }) : () -> ()
      %scan3A_28 = arith.constant 0 : i32
      %scan3A_29 = arith.constant 0 : i32
      %scan3A_30 = arith.constant 78 : i32
      %scan3A_31 = arith.addi %scan3A_29, %scan3A_30 : i32
      %scan3A_32 = arith.constant 1 : i32
      scf.for %scan3A_40 = %scan3A_29 to %scan3A_31 step %scan3A_32  : i32 {
        %mul3A_41 = arith.constant 128 : i32
        %mul3A_42 = arith.muli %scan3A_40, %mul3A_41 : i32
        %add3A_43 = arith.constant 0 : i32
        %add3A_44 = arith.addi %mul3A_42, %add3A_43 : i32
        %get3A_45 = arith.index_cast %add3A_44 : i32 to index
        %get3A_46 = tpu.vector_load %arg9[%get3A_45] {strides = array<i32>} : memref<10000xi32, #tpu.memory_space<vmem>>, vector<16xi32>,
        %gather3A_47 = tpu.vector_load_idx %arg7[%get3A_46] : memref<50000xf32, #tpu.memory_space<vmem>>[vector<16xi32>], vector<16xf32>,
        %add3A_48 = arith.constant 0 : i32
        %add3A_49 = arith.addi %mul3A_42, %add3A_48 : i32
        %get3A_50 = arith.index_cast %add3A_49 : i32 to index
        %get3A_51 = tpu.vector_load %arg11[%get3A_50] {strides = array<i32>} : memref<10000xf32, #tpu.memory_space<vmem>>, vector<16xf32>,
        %mul3A_52 = arith.mulf %gather3A_47, %get3A_51 : vector<16xf32>
        %add3A_53 = arith.constant 16 : i32
        %add3A_54 = arith.addi %mul3A_42, %add3A_53 : i32
        %get3A_55 = arith.index_cast %add3A_54 : i32 to index
        %get3A_56 = tpu.vector_load %arg9[%get3A_55] {strides = array<i32>} : memref<10000xi32, #tpu.memory_space<vmem>>, vector<16xi32>,
        %gather3A_57 = tpu.vector_load_idx %arg7[%get3A_56] : memref<50000xf32, #tpu.memory_space<vmem>>[vector<16xi32>], vector<16xf32>,
        %add3A_58 = arith.constant 16 : i32
        %add3A_59 = arith.addi %mul3A_42, %add3A_58 : i32
        %get3A_60 = arith.index_cast %add3A_59 : i32 to index
        %get3A_61 = tpu.vector_load %arg11[%get3A_60] {strides = array<i32>} : memref<10000xf32, #tpu.memory_space<vmem>>, vector<16xf32>,
        %mul3A_62 = arith.mulf %gather3A_57, %get3A_61 : vector<16xf32>
        %add3A_63 = arith.constant 32 : i32
        %add3A_64 = arith.addi %mul3A_42, %add3A_63 : i32
        %get3A_65 = arith.index_cast %add3A_64 : i32 to index
        %get3A_66 = tpu.vector_load %arg9[%get3A_65] {strides = array<i32>} : memref<10000xi32, #tpu.memory_space<vmem>>, vector<16xi32>,
        %gather3A_67 = tpu.vector_load_idx %arg7[%get3A_66] : memref<50000xf32, #tpu.memory_space<vmem>>[vector<16xi32>], vector<16xf32>,
        %add3A_68 = arith.constant 32 : i32
        %add3A_69 = arith.addi %mul3A_42, %add3A_68 : i32
        %get3A_70 = arith.index_cast %add3A_69 : i32 to index
        %get3A_71 = tpu.vector_load %arg11[%get3A_70] {strides = array<i32>} : memref<10000xf32, #tpu.memory_space<vmem>>, vector<16xf32>,
        %mul3A_72 = arith.mulf %gather3A_67, %get3A_71 : vector<16xf32>
        %add3A_73 = arith.constant 48 : i32
        %add3A_74 = arith.addi %mul3A_42, %add3A_73 : i32
        %get3A_75 = arith.index_cast %add3A_74 : i32 to index
        %get3A_76 = tpu.vector_load %arg9[%get3A_75] {strides = array<i32>} : memref<10000xi32, #tpu.memory_space<vmem>>, vector<16xi32>,
        %gather3A_77 = tpu.vector_load_idx %arg7[%get3A_76] : memref<50000xf32, #tpu.memory_space<vmem>>[vector<16xi32>], vector<16xf32>,
        %add3A_78 = arith.constant 48 : i32
        %add3A_79 = arith.addi %mul3A_42, %add3A_78 : i32
        %get3A_80 = arith.index_cast %add3A_79 : i32 to index
        %get3A_81 = tpu.vector_load %arg11[%get3A_80] {strides = array<i32>} : memref<10000xf32, #tpu.memory_space<vmem>>, vector<16xf32>,
        %mul3A_82 = arith.mulf %gather3A_77, %get3A_81 : vector<16xf32>
        %add3A_83 = arith.constant 64 : i32
        %add3A_84 = arith.addi %mul3A_42, %add3A_83 : i32
        %get3A_85 = arith.index_cast %add3A_84 : i32 to index
        %get3A_86 = tpu.vector_load %arg9[%get3A_85] {strides = array<i32>} : memref<10000xi32, #tpu.memory_space<vmem>>, vector<16xi32>,
        %gather3A_87 = tpu.vector_load_idx %arg7[%get3A_86] : memref<50000xf32, #tpu.memory_space<vmem>>[vector<16xi32>], vector<16xf32>,
        %add3A_88 = arith.constant 64 : i32
        %add3A_89 = arith.addi %mul3A_42, %add3A_88 : i32
        %get3A_90 = arith.index_cast %add3A_89 : i32 to index
        %get3A_91 = tpu.vector_load %arg11[%get3A_90] {strides = array<i32>} : memref<10000xf32, #tpu.memory_space<vmem>>, vector<16xf32>,
        %mul3A_92 = arith.mulf %gather3A_87, %get3A_91 : vector<16xf32>
        %add3A_93 = arith.constant 80 : i32
        %add3A_94 = arith.addi %mul3A_42, %add3A_93 : i32
        %get3A_95 = arith.index_cast %add3A_94 : i32 to index
        %get3A_96 = tpu.vector_load %arg9[%get3A_95] {strides = array<i32>} : memref<10000xi32, #tpu.memory_space<vmem>>, vector<16xi32>,
        %gather3A_97 = tpu.vector_load_idx %arg7[%get3A_96] : memref<50000xf32, #tpu.memory_space<vmem>>[vector<16xi32>], vector<16xf32>,
        %add3A_98 = arith.constant 80 : i32
        %add3A_99 = arith.addi %mul3A_42, %add3A_98 : i32
        %get3A_100 = arith.index_cast %add3A_99 : i32 to index
        %get3A_101 = tpu.vector_load %arg11[%get3A_100] {strides = array<i32>} : memref<10000xf32, #tpu.memory_space<vmem>>, vector<16xf32>,
        %mul3A_102 = arith.mulf %gather3A_97, %get3A_101 : vector<16xf32>
        %add3A_103 = arith.constant 96 : i32
        %add3A_104 = arith.addi %mul3A_42, %add3A_103 : i32
        %get3A_105 = arith.index_cast %add3A_104 : i32 to index
        %get3A_106 = tpu.vector_load %arg9[%get3A_105] {strides = array<i32>} : memref<10000xi32, #tpu.memory_space<vmem>>, vector<16xi32>,
        %gather3A_107 = tpu.vector_load_idx %arg7[%get3A_106] : memref<50000xf32, #tpu.memory_space<vmem>>[vector<16xi32>], vector<16xf32>,
        %add3A_108 = arith.constant 96 : i32
        %add3A_109 = arith.addi %mul3A_42, %add3A_108 : i32
        %get3A_110 = arith.index_cast %add3A_109 : i32 to index
        %get3A_111 = tpu.vector_load %arg11[%get3A_110] {strides = array<i32>} : memref<10000xf32, #tpu.memory_space<vmem>>, vector<16xf32>,
        %mul3A_112 = arith.mulf %gather3A_107, %get3A_111 : vector<16xf32>
        %add3A_113 = arith.constant 112 : i32
        %add3A_114 = arith.addi %mul3A_42, %add3A_113 : i32
        %get3A_115 = arith.index_cast %add3A_114 : i32 to index
        %get3A_116 = tpu.vector_load %arg9[%get3A_115] {strides = array<i32>} : memref<10000xi32, #tpu.memory_space<vmem>>, vector<16xi32>,
        %gather3A_117 = tpu.vector_load_idx %arg7[%get3A_116] : memref<50000xf32, #tpu.memory_space<vmem>>[vector<16xi32>], vector<16xf32>,
        %add3A_118 = arith.constant 112 : i32
        %add3A_119 = arith.addi %mul3A_42, %add3A_118 : i32
        %get3A_120 = arith.index_cast %add3A_119 : i32 to index
        %get3A_121 = tpu.vector_load %arg11[%get3A_120] {strides = array<i32>} : memref<10000xf32, #tpu.memory_space<vmem>>, vector<16xf32>,
        %mul3A_122 = arith.mulf %gather3A_117, %get3A_121 : vector<16xf32>
        %add3A_123 = arith.constant 0 : i32
        %add3A_124 = arith.addi %mul3A_42, %add3A_123 : i32
        %get3A_125 = arith.index_cast %add3A_124 : i32 to index
        %get3A_126 = tpu.vector_load %arg10[%get3A_125] {strides = array<i32>} : memref<10000xi32, #tpu.memory_space<vmem>>, vector<16xi32>,
        tpu.vector_store_idx %arg8[%get3A_126], %mul3A_52 {add = true} : memref<50000xf32, #tpu.memory_space<vmem>>[vector<16xi32>], vector<16xf32>,
        %add3A_127 = arith.constant 16 : i32
        %add3A_128 = arith.addi %mul3A_42, %add3A_127 : i32
        %get3A_129 = arith.index_cast %add3A_128 : i32 to index
        %get3A_130 = tpu.vector_load %arg10[%get3A_129] {strides = array<i32>} : memref<10000xi32, #tpu.memory_space<vmem>>, vector<16xi32>,
        tpu.vector_store_idx %arg8[%get3A_130], %mul3A_62 {add = true} : memref<50000xf32, #tpu.memory_space<vmem>>[vector<16xi32>], vector<16xf32>,
        %add3A_131 = arith.constant 32 : i32
        %add3A_132 = arith.addi %mul3A_42, %add3A_131 : i32
        %get3A_133 = arith.index_cast %add3A_132 : i32 to index
        %get3A_134 = tpu.vector_load %arg10[%get3A_133] {strides = array<i32>} : memref<10000xi32, #tpu.memory_space<vmem>>, vector<16xi32>,
        tpu.vector_store_idx %arg8[%get3A_134], %mul3A_72 {add = true} : memref<50000xf32, #tpu.memory_space<vmem>>[vector<16xi32>], vector<16xf32>,
        %add3A_135 = arith.constant 48 : i32
        %add3A_136 = arith.addi %mul3A_42, %add3A_135 : i32
        %get3A_137 = arith.index_cast %add3A_136 : i32 to index
        %get3A_138 = tpu.vector_load %arg10[%get3A_137] {strides = array<i32>} : memref<10000xi32, #tpu.memory_space<vmem>>, vector<16xi32>,
        tpu.vector_store_idx %arg8[%get3A_138], %mul3A_82 {add = true} : memref<50000xf32, #tpu.memory_space<vmem>>[vector<16xi32>], vector<16xf32>,
        %add3A_139 = arith.constant 64 : i32
        %add3A_140 = arith.addi %mul3A_42, %add3A_139 : i32
        %get3A_141 = arith.index_cast %add3A_140 : i32 to index
        %get3A_142 = tpu.vector_load %arg10[%get3A_141] {strides = array<i32>} : memref<10000xi32, #tpu.memory_space<vmem>>, vector<16xi32>,
        tpu.vector_store_idx %arg8[%get3A_142], %mul3A_92 {add = true} : memref<50000xf32, #tpu.memory_space<vmem>>[vector<16xi32>], vector<16xf32>,
        %add3A_143 = arith.constant 80 : i32
        %add3A_144 = arith.addi %mul3A_42, %add3A_143 : i32
        %get3A_145 = arith.index_cast %add3A_144 : i32 to index
        %get3A_146 = tpu.vector_load %arg10[%get3A_145] {strides = array<i32>} : memref<10000xi32, #tpu.memory_space<vmem>>, vector<16xi32>,
        tpu.vector_store_idx %arg8[%get3A_146], %mul3A_102 {add = true} : memref<50000xf32, #tpu.memory_space<vmem>>[vector<16xi32>], vector<16xf32>,
        %add3A_147 = arith.constant 96 : i32
        %add3A_148 = arith.addi %mul3A_42, %add3A_147 : i32
        %get3A_149 = arith.index_cast %add3A_148 : i32 to index
        %get3A_150 = tpu.vector_load %arg10[%get3A_149] {strides = array<i32>} : memref<10000xi32, #tpu.memory_space<vmem>>, vector<16xi32>,
        tpu.vector_store_idx %arg8[%get3A_150], %mul3A_112 {add = true} : memref<50000xf32, #tpu.memory_space<vmem>>[vector<16xi32>], vector<16xf32>,
        %add3A_151 = arith.constant 112 : i32
        %add3A_152 = arith.addi %mul3A_42, %add3A_151 : i32
        %get3A_153 = arith.index_cast %add3A_152 : i32 to index
        %get3A_154 = tpu.vector_load %arg10[%get3A_153] {strides = array<i32>} : memref<10000xi32, #tpu.memory_space<vmem>>, vector<16xi32>,
        tpu.vector_store_idx %arg8[%get3A_154], %mul3A_122 {add = true} : memref<50000xf32, #tpu.memory_space<vmem>>[vector<16xi32>], vector<16xf32>,
      }
      %scan3A_33 = arith.constant 78 : i32
      %get3A = arith.constant 9984 : index
      %get3A_34 = tpu.vector_load %arg9[%get3A] {strides = array<i32>} : memref<10000xi32, #tpu.memory_space<vmem>>, vector<16xi32>,
      %gather3A = tpu.vector_load_idx %arg7[%get3A_34] : memref<50000xf32, #tpu.memory_space<vmem>>[vector<16xi32>], vector<16xf32>,
      %get3A_35 = arith.constant 9984 : index
      %get3A_36 = tpu.vector_load %arg11[%get3A_35] {strides = array<i32>} : memref<10000xf32, #tpu.memory_space<vmem>>, vector<16xf32>,
      %mul3A_37 = arith.mulf %gather3A, %get3A_36 : vector<16xf32>
      %get3A_38 = arith.constant 9984 : index
      %get3A_39 = tpu.vector_load %arg10[%get3A_38] {strides = array<i32>} : memref<10000xi32, #tpu.memory_space<vmem>>, vector<16xi32>,
      tpu.vector_store_idx %arg8[%get3A_39], %mul3A_37 {add = true} : memref<50000xf32, #tpu.memory_space<vmem>>[vector<16xi32>], vector<16xf32>,
    }
    %scan3A_18 = arith.constant 40 : i32
    %mul3A_19 = arith.constant 4 : i32
    %mul3A_20 = arith.muli %and3A_0, %mul3A_19 : i32
    %add3A_21 = arith.addi %mul3A_20, %add3A : i32
    %mul3A_22 = arith.constant 50000 : i32
    %mul3A_23 = arith.muli %add3A_21, %mul3A_22 : i32
    "tpu.region"() ({
      %run_scoped3A = tpu.sem_alloc : memref<!tpu.dma_semaphore, #tpu.memory_space<semaphore_mem>>
      %dma_start3A = tpu.memref_slice %arg6[%mul3A_23] : memref<1600000xf32, #tpu.memory_space<hbm>> -> memref<50000xf32, #tpu.memory_space<hbm>>
      %dma_start3A_24 = tpu.memref_slice %arg6[%mul3A_23] : memref<1600000xf32, #tpu.memory_space<hbm>> -> memref<50000xf32, #tpu.memory_space<hbm>>
      tpu.enqueue_dma source(%arg8 : memref<50000xf32, #tpu.memory_space<vmem>>) target(%dma_start3A_24 : memref<50000xf32, #tpu.memory_space<hbm>>) target_semaphore(%run_scoped3A : memref<!tpu.dma_semaphore, #tpu.memory_space<semaphore_mem>>)
      %dma_wait3A = tpu.memref_slice %arg6[%mul3A_23] : memref<1600000xf32, #tpu.memory_space<hbm>> -> memref<50000xf32, #tpu.memory_space<hbm>>
      %dma_wait3A_25 = tpu.memref_slice %arg6[%mul3A_23] : memref<1600000xf32, #tpu.memory_space<hbm>> -> memref<50000xf32, #tpu.memory_space<hbm>>
      tpu.wait_dma2 semaphore(%run_scoped3A : memref<!tpu.dma_semaphore, #tpu.memory_space<semaphore_mem>>) src(%arg8 : memref<50000xf32, #tpu.memory_space<vmem>>) dst(%dma_wait3A_25 : memref<50000xf32, #tpu.memory_space<hbm>>)
      tpu.yield
    }) : () -> ()
    return
  }
}

#map = affine_map<(d0, d1) -> (0)>
module attributes {stable_mosaic.version = 14 : i64} {
  func.func @_sc_conv2(%arg0: i32, %arg1: i32, %arg2: memref<1600000xi32, #tpu.memory_space<hbm>>, %arg3: memref<1600000xi32, #tpu.memory_space<hbm>>, %arg4: memref<1600000xf32, #tpu.memory_space<hbm>>, %arg5: memref<50000xf32, #tpu.memory_space<hbm>>, %arg6: memref<1600000xf32, #tpu.memory_space<hbm>>, %arg7: memref<50000xf32, #tpu.memory_space<vmem>>, %arg8: memref<50000xf32, #tpu.memory_space<vmem>>, %arg9: memref<10000xi32, #tpu.memory_space<vmem>>, %arg10: memref<10000xi32, #tpu.memory_space<vmem>>, %arg11: memref<10000xf32, #tpu.memory_space<vmem>>) attributes {dimension_semantics = [#tpu.dimension_semantics<core_parallel>, #tpu.dimension_semantics<subcore_parallel>], iteration_bounds = array<i64: 2, 16>, scalar_prefetch = 0 : i64, scratch_operands = 5 : i64, tpu.core_type = #tpu.core_type<sc_vector_subcore>, window_params = [{transform_indices = #map}, {transform_indices = #map}, {transform_indices = #map}, {transform_indices = #map}, {transform_indices = #map}]} {
    %mul3A = arith.constant 2 : i32
    %mul3A_0 = arith.muli %arg1, %mul3A : i32
    %add3A = arith.addi %mul3A_0, %arg0 : i32
    %mul3A_1 = arith.constant 50000 : i32
    %mul3A_2 = arith.muli %add3A, %mul3A_1 : i32
    "tpu.region"() ({
      %run_scoped3A = tpu.sem_alloc : memref<!tpu.dma_semaphore, #tpu.memory_space<semaphore_mem>>
      tpu.enqueue_dma source(%arg5 : memref<50000xf32, #tpu.memory_space<hbm>>) target(%arg7 : memref<50000xf32, #tpu.memory_space<vmem>>) target_semaphore(%run_scoped3A : memref<!tpu.dma_semaphore, #tpu.memory_space<semaphore_mem>>)
      tpu.wait_dma2 semaphore(%run_scoped3A : memref<!tpu.dma_semaphore, #tpu.memory_space<semaphore_mem>>) src(%arg5 : memref<50000xf32, #tpu.memory_space<hbm>>) dst(%arg7 : memref<50000xf32, #tpu.memory_space<vmem>>)
      tpu.yield
    }) : () -> ()
    %broadcast_in_dim3A = arith.constant 0.000000e+00 : f32
    %broadcast_in_dim3A_3 = vector.broadcast %broadcast_in_dim3A : f32 to vector<16xf32>
    %scan3A = arith.constant 0 : i32
    %scan3A_4 = arith.constant 0 : i32
    %scan3A_5 = arith.constant 3125 : i32
    %scan3A_6 = arith.addi %scan3A_4, %scan3A_5 : i32
    %scan3A_7 = arith.constant 1 : i32
    scf.for %scan3A_17 = %scan3A_4 to %scan3A_6 step %scan3A_7  : i32 {
      %mul3A_18 = arith.constant 16 : i32
      %mul3A_19 = arith.muli %scan3A_17, %mul3A_18 : i32
      %swap3A = arith.index_cast %mul3A_19 : i32 to index
      %swap3A_20 = tpu.vector_load %arg8[%swap3A] {strides = array<i32>} : memref<50000xf32, #tpu.memory_space<vmem>>, vector<16xf32>,
      tpu.vector_store %arg8[%swap3A], %broadcast_in_dim3A_3 {strides = array<i32>} : memref<50000xf32, #tpu.memory_space<vmem>>, vector<16xf32>,
    }
    %scan3A_8 = arith.constant 3125 : i32
    %scan3A_9 = arith.constant 0 : i32
    %scan3A_10 = arith.constant 0 : i32
    %scan3A_11 = arith.constant 5 : i32
    %scan3A_12 = arith.addi %scan3A_10, %scan3A_11 : i32
    %scan3A_13 = arith.constant 1 : i32
    scf.for %scan3A_17 = %scan3A_10 to %scan3A_12 step %scan3A_13  : i32 {
      %mul3A_18 = arith.constant 10000 : i32
      %mul3A_19 = arith.muli %scan3A_17, %mul3A_18 : i32
      %add3A_20 = arith.addi %mul3A_2, %mul3A_19 : i32
      "tpu.region"() ({
        %run_scoped3A = tpu.sem_alloc : memref<!tpu.dma_semaphore, #tpu.memory_space<semaphore_mem>>
        %dma_start3A = tpu.memref_slice %arg2[%add3A_20] : memref<1600000xi32, #tpu.memory_space<hbm>> -> memref<10000xi32, #tpu.memory_space<hbm>>
        %dma_start3A_33 = tpu.memref_slice %arg2[%add3A_20] : memref<1600000xi32, #tpu.memory_space<hbm>> -> memref<10000xi32, #tpu.memory_space<hbm>>
        tpu.enqueue_dma source(%dma_start3A_33 : memref<10000xi32, #tpu.memory_space<hbm>>) target(%arg9 : memref<10000xi32, #tpu.memory_space<vmem>>) target_semaphore(%run_scoped3A : memref<!tpu.dma_semaphore, #tpu.memory_space<semaphore_mem>>)
        %dma_wait3A = tpu.memref_slice %arg2[%add3A_20] : memref<1600000xi32, #tpu.memory_space<hbm>> -> memref<10000xi32, #tpu.memory_space<hbm>>
        %dma_wait3A_34 = tpu.memref_slice %arg2[%add3A_20] : memref<1600000xi32, #tpu.memory_space<hbm>> -> memref<10000xi32, #tpu.memory_space<hbm>>
        tpu.wait_dma2 semaphore(%run_scoped3A : memref<!tpu.dma_semaphore, #tpu.memory_space<semaphore_mem>>) src(%dma_wait3A_34 : memref<10000xi32, #tpu.memory_space<hbm>>) dst(%arg9 : memref<10000xi32, #tpu.memory_space<vmem>>)
        tpu.yield
      }) : () -> ()
      "tpu.region"() ({
        %run_scoped3A = tpu.sem_alloc : memref<!tpu.dma_semaphore, #tpu.memory_space<semaphore_mem>>
        %dma_start3A = tpu.memref_slice %arg3[%add3A_20] : memref<1600000xi32, #tpu.memory_space<hbm>> -> memref<10000xi32, #tpu.memory_space<hbm>>
        %dma_start3A_33 = tpu.memref_slice %arg3[%add3A_20] : memref<1600000xi32, #tpu.memory_space<hbm>> -> memref<10000xi32, #tpu.memory_space<hbm>>
        tpu.enqueue_dma source(%dma_start3A_33 : memref<10000xi32, #tpu.memory_space<hbm>>) target(%arg10 : memref<10000xi32, #tpu.memory_space<vmem>>) target_semaphore(%run_scoped3A : memref<!tpu.dma_semaphore, #tpu.memory_space<semaphore_mem>>)
        %dma_wait3A = tpu.memref_slice %arg3[%add3A_20] : memref<1600000xi32, #tpu.memory_space<hbm>> -> memref<10000xi32, #tpu.memory_space<hbm>>
        %dma_wait3A_34 = tpu.memref_slice %arg3[%add3A_20] : memref<1600000xi32, #tpu.memory_space<hbm>> -> memref<10000xi32, #tpu.memory_space<hbm>>
        tpu.wait_dma2 semaphore(%run_scoped3A : memref<!tpu.dma_semaphore, #tpu.memory_space<semaphore_mem>>) src(%dma_wait3A_34 : memref<10000xi32, #tpu.memory_space<hbm>>) dst(%arg10 : memref<10000xi32, #tpu.memory_space<vmem>>)
        tpu.yield
      }) : () -> ()
      "tpu.region"() ({
        %run_scoped3A = tpu.sem_alloc : memref<!tpu.dma_semaphore, #tpu.memory_space<semaphore_mem>>
        %dma_start3A = tpu.memref_slice %arg4[%add3A_20] : memref<1600000xf32, #tpu.memory_space<hbm>> -> memref<10000xf32, #tpu.memory_space<hbm>>
        %dma_start3A_33 = tpu.memref_slice %arg4[%add3A_20] : memref<1600000xf32, #tpu.memory_space<hbm>> -> memref<10000xf32, #tpu.memory_space<hbm>>
        tpu.enqueue_dma source(%dma_start3A_33 : memref<10000xf32, #tpu.memory_space<hbm>>) target(%arg11 : memref<10000xf32, #tpu.memory_space<vmem>>) target_semaphore(%run_scoped3A : memref<!tpu.dma_semaphore, #tpu.memory_space<semaphore_mem>>)
        %dma_wait3A = tpu.memref_slice %arg4[%add3A_20] : memref<1600000xf32, #tpu.memory_space<hbm>> -> memref<10000xf32, #tpu.memory_space<hbm>>
        %dma_wait3A_34 = tpu.memref_slice %arg4[%add3A_20] : memref<1600000xf32, #tpu.memory_space<hbm>> -> memref<10000xf32, #tpu.memory_space<hbm>>
        tpu.wait_dma2 semaphore(%run_scoped3A : memref<!tpu.dma_semaphore, #tpu.memory_space<semaphore_mem>>) src(%dma_wait3A_34 : memref<10000xf32, #tpu.memory_space<hbm>>) dst(%arg11 : memref<10000xf32, #tpu.memory_space<vmem>>)
        tpu.yield
      }) : () -> ()
      %scan3A_21 = arith.constant 0 : i32
      %scan3A_22 = arith.constant 0 : i32
      %scan3A_23 = arith.constant 156 : i32
      %scan3A_24 = arith.addi %scan3A_22, %scan3A_23 : i32
      %scan3A_25 = arith.constant 1 : i32
      scf.for %scan3A_33 = %scan3A_22 to %scan3A_24 step %scan3A_25  : i32 {
        %mul3A_34 = arith.constant 64 : i32
        %mul3A_35 = arith.muli %scan3A_33, %mul3A_34 : i32
        %add3A_36 = arith.constant 0 : i32
        %add3A_37 = arith.addi %mul3A_35, %add3A_36 : i32
        %get3A_38 = arith.index_cast %add3A_37 : i32 to index
        %get3A_39 = tpu.vector_load %arg9[%get3A_38] {strides = array<i32>} : memref<10000xi32, #tpu.memory_space<vmem>>, vector<16xi32>,
        %gather3A_40 = tpu.vector_load_idx %arg7[%get3A_39] : memref<50000xf32, #tpu.memory_space<vmem>>[vector<16xi32>], vector<16xf32>,
        %add3A_41 = arith.constant 0 : i32
        %add3A_42 = arith.addi %mul3A_35, %add3A_41 : i32
        %get3A_43 = arith.index_cast %add3A_42 : i32 to index
        %get3A_44 = tpu.vector_load %arg11[%get3A_43] {strides = array<i32>} : memref<10000xf32, #tpu.memory_space<vmem>>, vector<16xf32>,
        %mul3A_45 = arith.mulf %gather3A_40, %get3A_44 : vector<16xf32>
        %add3A_46 = arith.constant 16 : i32
        %add3A_47 = arith.addi %mul3A_35, %add3A_46 : i32
        %get3A_48 = arith.index_cast %add3A_47 : i32 to index
        %get3A_49 = tpu.vector_load %arg9[%get3A_48] {strides = array<i32>} : memref<10000xi32, #tpu.memory_space<vmem>>, vector<16xi32>,
        %gather3A_50 = tpu.vector_load_idx %arg7[%get3A_49] : memref<50000xf32, #tpu.memory_space<vmem>>[vector<16xi32>], vector<16xf32>,
        %add3A_51 = arith.constant 16 : i32
        %add3A_52 = arith.addi %mul3A_35, %add3A_51 : i32
        %get3A_53 = arith.index_cast %add3A_52 : i32 to index
        %get3A_54 = tpu.vector_load %arg11[%get3A_53] {strides = array<i32>} : memref<10000xf32, #tpu.memory_space<vmem>>, vector<16xf32>,
        %mul3A_55 = arith.mulf %gather3A_50, %get3A_54 : vector<16xf32>
        %add3A_56 = arith.constant 32 : i32
        %add3A_57 = arith.addi %mul3A_35, %add3A_56 : i32
        %get3A_58 = arith.index_cast %add3A_57 : i32 to index
        %get3A_59 = tpu.vector_load %arg9[%get3A_58] {strides = array<i32>} : memref<10000xi32, #tpu.memory_space<vmem>>, vector<16xi32>,
        %gather3A_60 = tpu.vector_load_idx %arg7[%get3A_59] : memref<50000xf32, #tpu.memory_space<vmem>>[vector<16xi32>], vector<16xf32>,
        %add3A_61 = arith.constant 32 : i32
        %add3A_62 = arith.addi %mul3A_35, %add3A_61 : i32
        %get3A_63 = arith.index_cast %add3A_62 : i32 to index
        %get3A_64 = tpu.vector_load %arg11[%get3A_63] {strides = array<i32>} : memref<10000xf32, #tpu.memory_space<vmem>>, vector<16xf32>,
        %mul3A_65 = arith.mulf %gather3A_60, %get3A_64 : vector<16xf32>
        %add3A_66 = arith.constant 48 : i32
        %add3A_67 = arith.addi %mul3A_35, %add3A_66 : i32
        %get3A_68 = arith.index_cast %add3A_67 : i32 to index
        %get3A_69 = tpu.vector_load %arg9[%get3A_68] {strides = array<i32>} : memref<10000xi32, #tpu.memory_space<vmem>>, vector<16xi32>,
        %gather3A_70 = tpu.vector_load_idx %arg7[%get3A_69] : memref<50000xf32, #tpu.memory_space<vmem>>[vector<16xi32>], vector<16xf32>,
        %add3A_71 = arith.constant 48 : i32
        %add3A_72 = arith.addi %mul3A_35, %add3A_71 : i32
        %get3A_73 = arith.index_cast %add3A_72 : i32 to index
        %get3A_74 = tpu.vector_load %arg11[%get3A_73] {strides = array<i32>} : memref<10000xf32, #tpu.memory_space<vmem>>, vector<16xf32>,
        %mul3A_75 = arith.mulf %gather3A_70, %get3A_74 : vector<16xf32>
        %add3A_76 = arith.constant 0 : i32
        %add3A_77 = arith.addi %mul3A_35, %add3A_76 : i32
        %get3A_78 = arith.index_cast %add3A_77 : i32 to index
        %get3A_79 = tpu.vector_load %arg10[%get3A_78] {strides = array<i32>} : memref<10000xi32, #tpu.memory_space<vmem>>, vector<16xi32>,
        tpu.vector_store_idx %arg8[%get3A_79], %mul3A_45 {add = true} : memref<50000xf32, #tpu.memory_space<vmem>>[vector<16xi32>], vector<16xf32>,
        %add3A_80 = arith.constant 16 : i32
        %add3A_81 = arith.addi %mul3A_35, %add3A_80 : i32
        %get3A_82 = arith.index_cast %add3A_81 : i32 to index
        %get3A_83 = tpu.vector_load %arg10[%get3A_82] {strides = array<i32>} : memref<10000xi32, #tpu.memory_space<vmem>>, vector<16xi32>,
        tpu.vector_store_idx %arg8[%get3A_83], %mul3A_55 {add = true} : memref<50000xf32, #tpu.memory_space<vmem>>[vector<16xi32>], vector<16xf32>,
        %add3A_84 = arith.constant 32 : i32
        %add3A_85 = arith.addi %mul3A_35, %add3A_84 : i32
        %get3A_86 = arith.index_cast %add3A_85 : i32 to index
        %get3A_87 = tpu.vector_load %arg10[%get3A_86] {strides = array<i32>} : memref<10000xi32, #tpu.memory_space<vmem>>, vector<16xi32>,
        tpu.vector_store_idx %arg8[%get3A_87], %mul3A_65 {add = true} : memref<50000xf32, #tpu.memory_space<vmem>>[vector<16xi32>], vector<16xf32>,
        %add3A_88 = arith.constant 48 : i32
        %add3A_89 = arith.addi %mul3A_35, %add3A_88 : i32
        %get3A_90 = arith.index_cast %add3A_89 : i32 to index
        %get3A_91 = tpu.vector_load %arg10[%get3A_90] {strides = array<i32>} : memref<10000xi32, #tpu.memory_space<vmem>>, vector<16xi32>,
        tpu.vector_store_idx %arg8[%get3A_91], %mul3A_75 {add = true} : memref<50000xf32, #tpu.memory_space<vmem>>[vector<16xi32>], vector<16xf32>,
      }
      %scan3A_26 = arith.constant 156 : i32
      %get3A = arith.constant 9984 : index
      %get3A_27 = tpu.vector_load %arg9[%get3A] {strides = array<i32>} : memref<10000xi32, #tpu.memory_space<vmem>>, vector<16xi32>,
      %gather3A = tpu.vector_load_idx %arg7[%get3A_27] : memref<50000xf32, #tpu.memory_space<vmem>>[vector<16xi32>], vector<16xf32>,
      %get3A_28 = arith.constant 9984 : index
      %get3A_29 = tpu.vector_load %arg11[%get3A_28] {strides = array<i32>} : memref<10000xf32, #tpu.memory_space<vmem>>, vector<16xf32>,
      %mul3A_30 = arith.mulf %gather3A, %get3A_29 : vector<16xf32>
      %get3A_31 = arith.constant 9984 : index
      %get3A_32 = tpu.vector_load %arg10[%get3A_31] {strides = array<i32>} : memref<10000xi32, #tpu.memory_space<vmem>>, vector<16xi32>,
      tpu.vector_store_idx %arg8[%get3A_32], %mul3A_30 {add = true} : memref<50000xf32, #tpu.memory_space<vmem>>[vector<16xi32>], vector<16xf32>,
    }
    %scan3A_14 = arith.constant 5 : i32
    %mul3A_15 = arith.constant 50000 : i32
    %mul3A_16 = arith.muli %add3A, %mul3A_15 : i32
    "tpu.region"() ({
      %run_scoped3A = tpu.sem_alloc : memref<!tpu.dma_semaphore, #tpu.memory_space<semaphore_mem>>
      %dma_start3A = tpu.memref_slice %arg6[%mul3A_16] : memref<1600000xf32, #tpu.memory_space<hbm>> -> memref<50000xf32, #tpu.memory_space<hbm>>
      %dma_start3A_17 = tpu.memref_slice %arg6[%mul3A_16] : memref<1600000xf32, #tpu.memory_space<hbm>> -> memref<50000xf32, #tpu.memory_space<hbm>>
      tpu.enqueue_dma source(%arg8 : memref<50000xf32, #tpu.memory_space<vmem>>) target(%dma_start3A_17 : memref<50000xf32, #tpu.memory_space<hbm>>) target_semaphore(%run_scoped3A : memref<!tpu.dma_semaphore, #tpu.memory_space<semaphore_mem>>)
      %dma_wait3A = tpu.memref_slice %arg6[%mul3A_16] : memref<1600000xf32, #tpu.memory_space<hbm>> -> memref<50000xf32, #tpu.memory_space<hbm>>
      %dma_wait3A_18 = tpu.memref_slice %arg6[%mul3A_16] : memref<1600000xf32, #tpu.memory_space<hbm>> -> memref<50000xf32, #tpu.memory_space<hbm>>
      tpu.wait_dma2 semaphore(%run_scoped3A : memref<!tpu.dma_semaphore, #tpu.memory_space<semaphore_mem>>) src(%arg8 : memref<50000xf32, #tpu.memory_space<vmem>>) dst(%dma_wait3A_18 : memref<50000xf32, #tpu.memory_space<hbm>>)
      tpu.yield
    }) : () -> ()
    return
  }
}

#map = affine_map<(d0, d1) -> (0)>
module attributes {stable_mosaic.version = 14 : i64} {
  func.func @_sc_deg(%arg0: i32, %arg1: i32, %arg2: memref<1600000xi32, #tpu.memory_space<hbm>>, %arg3: memref<1600000xf32, #tpu.memory_space<hbm>>, %arg4: memref<1600000xf32, #tpu.memory_space<hbm>>, %arg5: memref<50000xf32, #tpu.memory_space<vmem>>, %arg6: memref<10000xi32, #tpu.memory_space<vmem>>, %arg7: memref<10000xf32, #tpu.memory_space<vmem>>) attributes {dimension_semantics = [#tpu.dimension_semantics<core_parallel>, #tpu.dimension_semantics<subcore_parallel>], iteration_bounds = array<i64: 2, 16>, scalar_prefetch = 0 : i64, scratch_operands = 3 : i64, tpu.core_type = #tpu.core_type<sc_vector_subcore>, window_params = [{transform_indices = #map}, {transform_indices = #map}, {transform_indices = #map}]} {
    %mul3A = arith.constant 2 : i32
    %mul3A_0 = arith.muli %arg1, %mul3A : i32
    %add3A = arith.addi %mul3A_0, %arg0 : i32
    %mul3A_1 = arith.constant 50000 : i32
    %mul3A_2 = arith.muli %add3A, %mul3A_1 : i32
    %broadcast_in_dim3A = arith.constant 0.000000e+00 : f32
    %broadcast_in_dim3A_3 = vector.broadcast %broadcast_in_dim3A : f32 to vector<16xf32>
    %scan3A = arith.constant 0 : i32
    %scan3A_4 = arith.constant 0 : i32
    %scan3A_5 = arith.constant 3125 : i32
    %scan3A_6 = arith.addi %scan3A_4, %scan3A_5 : i32
    %scan3A_7 = arith.constant 1 : i32
    scf.for %scan3A_17 = %scan3A_4 to %scan3A_6 step %scan3A_7  : i32 {
      %mul3A_18 = arith.constant 16 : i32
      %mul3A_19 = arith.muli %scan3A_17, %mul3A_18 : i32
      %swap3A = arith.index_cast %mul3A_19 : i32 to index
      %swap3A_20 = tpu.vector_load %arg5[%swap3A] {strides = array<i32>} : memref<50000xf32, #tpu.memory_space<vmem>>, vector<16xf32>,
      tpu.vector_store %arg5[%swap3A], %broadcast_in_dim3A_3 {strides = array<i32>} : memref<50000xf32, #tpu.memory_space<vmem>>, vector<16xf32>,
    }
    %scan3A_8 = arith.constant 3125 : i32
    %scan3A_9 = arith.constant 0 : i32
    %scan3A_10 = arith.constant 0 : i32
    %scan3A_11 = arith.constant 5 : i32
    %scan3A_12 = arith.addi %scan3A_10, %scan3A_11 : i32
    %scan3A_13 = arith.constant 1 : i32
    scf.for %scan3A_17 = %scan3A_10 to %scan3A_12 step %scan3A_13  : i32 {
      %mul3A_18 = arith.constant 10000 : i32
      %mul3A_19 = arith.muli %scan3A_17, %mul3A_18 : i32
      %add3A_20 = arith.addi %mul3A_2, %mul3A_19 : i32
      "tpu.region"() ({
        %run_scoped3A = tpu.sem_alloc : memref<!tpu.dma_semaphore, #tpu.memory_space<semaphore_mem>>
        %dma_start3A = tpu.memref_slice %arg2[%add3A_20] : memref<1600000xi32, #tpu.memory_space<hbm>> -> memref<10000xi32, #tpu.memory_space<hbm>>
        %dma_start3A_30 = tpu.memref_slice %arg2[%add3A_20] : memref<1600000xi32, #tpu.memory_space<hbm>> -> memref<10000xi32, #tpu.memory_space<hbm>>
        tpu.enqueue_dma source(%dma_start3A_30 : memref<10000xi32, #tpu.memory_space<hbm>>) target(%arg6 : memref<10000xi32, #tpu.memory_space<vmem>>) target_semaphore(%run_scoped3A : memref<!tpu.dma_semaphore, #tpu.memory_space<semaphore_mem>>)
        %dma_wait3A = tpu.memref_slice %arg2[%add3A_20] : memref<1600000xi32, #tpu.memory_space<hbm>> -> memref<10000xi32, #tpu.memory_space<hbm>>
        %dma_wait3A_31 = tpu.memref_slice %arg2[%add3A_20] : memref<1600000xi32, #tpu.memory_space<hbm>> -> memref<10000xi32, #tpu.memory_space<hbm>>
        tpu.wait_dma2 semaphore(%run_scoped3A : memref<!tpu.dma_semaphore, #tpu.memory_space<semaphore_mem>>) src(%dma_wait3A_31 : memref<10000xi32, #tpu.memory_space<hbm>>) dst(%arg6 : memref<10000xi32, #tpu.memory_space<vmem>>)
        tpu.yield
      }) : () -> ()
      "tpu.region"() ({
        %run_scoped3A = tpu.sem_alloc : memref<!tpu.dma_semaphore, #tpu.memory_space<semaphore_mem>>
        %dma_start3A = tpu.memref_slice %arg3[%add3A_20] : memref<1600000xf32, #tpu.memory_space<hbm>> -> memref<10000xf32, #tpu.memory_space<hbm>>
        %dma_start3A_30 = tpu.memref_slice %arg3[%add3A_20] : memref<1600000xf32, #tpu.memory_space<hbm>> -> memref<10000xf32, #tpu.memory_space<hbm>>
        tpu.enqueue_dma source(%dma_start3A_30 : memref<10000xf32, #tpu.memory_space<hbm>>) target(%arg7 : memref<10000xf32, #tpu.memory_space<vmem>>) target_semaphore(%run_scoped3A : memref<!tpu.dma_semaphore, #tpu.memory_space<semaphore_mem>>)
        %dma_wait3A = tpu.memref_slice %arg3[%add3A_20] : memref<1600000xf32, #tpu.memory_space<hbm>> -> memref<10000xf32, #tpu.memory_space<hbm>>
        %dma_wait3A_31 = tpu.memref_slice %arg3[%add3A_20] : memref<1600000xf32, #tpu.memory_space<hbm>> -> memref<10000xf32, #tpu.memory_space<hbm>>
        tpu.wait_dma2 semaphore(%run_scoped3A : memref<!tpu.dma_semaphore, #tpu.memory_space<semaphore_mem>>) src(%dma_wait3A_31 : memref<10000xf32, #tpu.memory_space<hbm>>) dst(%arg7 : memref<10000xf32, #tpu.memory_space<vmem>>)
        tpu.yield
      }) : () -> ()
      %scan3A_21 = arith.constant 0 : i32
      %scan3A_22 = arith.constant 0 : i32
      %scan3A_23 = arith.constant 156 : i32
      %scan3A_24 = arith.addi %scan3A_22, %scan3A_23 : i32
      %scan3A_25 = arith.constant 1 : i32
      scf.for %scan3A_30 = %scan3A_22 to %scan3A_24 step %scan3A_25  : i32 {
        %mul3A_31 = arith.constant 64 : i32
        %mul3A_32 = arith.muli %scan3A_30, %mul3A_31 : i32
        %add3A_33 = arith.constant 0 : i32
        %add3A_34 = arith.addi %mul3A_32, %add3A_33 : i32
        %get3A_35 = arith.index_cast %add3A_34 : i32 to index
        %get3A_36 = tpu.vector_load %arg6[%get3A_35] {strides = array<i32>} : memref<10000xi32, #tpu.memory_space<vmem>>, vector<16xi32>,
        %add3A_37 = arith.constant 0 : i32
        %add3A_38 = arith.addi %mul3A_32, %add3A_37 : i32
        %get3A_39 = arith.index_cast %add3A_38 : i32 to index
        %get3A_40 = tpu.vector_load %arg7[%get3A_39] {strides = array<i32>} : memref<10000xf32, #tpu.memory_space<vmem>>, vector<16xf32>,
        tpu.vector_store_idx %arg5[%get3A_36], %get3A_40 {add = true} : memref<50000xf32, #tpu.memory_space<vmem>>[vector<16xi32>], vector<16xf32>,
        %add3A_41 = arith.constant 16 : i32
        %add3A_42 = arith.addi %mul3A_32, %add3A_41 : i32
        %get3A_43 = arith.index_cast %add3A_42 : i32 to index
        %get3A_44 = tpu.vector_load %arg6[%get3A_43] {strides = array<i32>} : memref<10000xi32, #tpu.memory_space<vmem>>, vector<16xi32>,
        %add3A_45 = arith.constant 16 : i32
        %add3A_46 = arith.addi %mul3A_32, %add3A_45 : i32
        %get3A_47 = arith.index_cast %add3A_46 : i32 to index
        %get3A_48 = tpu.vector_load %arg7[%get3A_47] {strides = array<i32>} : memref<10000xf32, #tpu.memory_space<vmem>>, vector<16xf32>,
        tpu.vector_store_idx %arg5[%get3A_44], %get3A_48 {add = true} : memref<50000xf32, #tpu.memory_space<vmem>>[vector<16xi32>], vector<16xf32>,
        %add3A_49 = arith.constant 32 : i32
        %add3A_50 = arith.addi %mul3A_32, %add3A_49 : i32
        %get3A_51 = arith.index_cast %add3A_50 : i32 to index
        %get3A_52 = tpu.vector_load %arg6[%get3A_51] {strides = array<i32>} : memref<10000xi32, #tpu.memory_space<vmem>>, vector<16xi32>,
        %add3A_53 = arith.constant 32 : i32
        %add3A_54 = arith.addi %mul3A_32, %add3A_53 : i32
        %get3A_55 = arith.index_cast %add3A_54 : i32 to index
        %get3A_56 = tpu.vector_load %arg7[%get3A_55] {strides = array<i32>} : memref<10000xf32, #tpu.memory_space<vmem>>, vector<16xf32>,
        tpu.vector_store_idx %arg5[%get3A_52], %get3A_56 {add = true} : memref<50000xf32, #tpu.memory_space<vmem>>[vector<16xi32>], vector<16xf32>,
        %add3A_57 = arith.constant 48 : i32
        %add3A_58 = arith.addi %mul3A_32, %add3A_57 : i32
        %get3A_59 = arith.index_cast %add3A_58 : i32 to index
        %get3A_60 = tpu.vector_load %arg6[%get3A_59] {strides = array<i32>} : memref<10000xi32, #tpu.memory_space<vmem>>, vector<16xi32>,
        %add3A_61 = arith.constant 48 : i32
        %add3A_62 = arith.addi %mul3A_32, %add3A_61 : i32
        %get3A_63 = arith.index_cast %add3A_62 : i32 to index
        %get3A_64 = tpu.vector_load %arg7[%get3A_63] {strides = array<i32>} : memref<10000xf32, #tpu.memory_space<vmem>>, vector<16xf32>,
        tpu.vector_store_idx %arg5[%get3A_60], %get3A_64 {add = true} : memref<50000xf32, #tpu.memory_space<vmem>>[vector<16xi32>], vector<16xf32>,
      }
      %scan3A_26 = arith.constant 156 : i32
      %get3A = arith.constant 9984 : index
      %get3A_27 = tpu.vector_load %arg6[%get3A] {strides = array<i32>} : memref<10000xi32, #tpu.memory_space<vmem>>, vector<16xi32>,
      %get3A_28 = arith.constant 9984 : index
      %get3A_29 = tpu.vector_load %arg7[%get3A_28] {strides = array<i32>} : memref<10000xf32, #tpu.memory_space<vmem>>, vector<16xf32>,
      tpu.vector_store_idx %arg5[%get3A_27], %get3A_29 {add = true} : memref<50000xf32, #tpu.memory_space<vmem>>[vector<16xi32>], vector<16xf32>,
    }
    %scan3A_14 = arith.constant 5 : i32
    %mul3A_15 = arith.constant 50000 : i32
    %mul3A_16 = arith.muli %add3A, %mul3A_15 : i32
    "tpu.region"() ({
      %run_scoped3A = tpu.sem_alloc : memref<!tpu.dma_semaphore, #tpu.memory_space<semaphore_mem>>
      %dma_start3A = tpu.memref_slice %arg4[%mul3A_16] : memref<1600000xf32, #tpu.memory_space<hbm>> -> memref<50000xf32, #tpu.memory_space<hbm>>
      %dma_start3A_17 = tpu.memref_slice %arg4[%mul3A_16] : memref<1600000xf32, #tpu.memory_space<hbm>> -> memref<50000xf32, #tpu.memory_space<hbm>>
      tpu.enqueue_dma source(%arg5 : memref<50000xf32, #tpu.memory_space<vmem>>) target(%dma_start3A_17 : memref<50000xf32, #tpu.memory_space<hbm>>) target_semaphore(%run_scoped3A : memref<!tpu.dma_semaphore, #tpu.memory_space<semaphore_mem>>)
      %dma_wait3A = tpu.memref_slice %arg4[%mul3A_16] : memref<1600000xf32, #tpu.memory_space<hbm>> -> memref<50000xf32, #tpu.memory_space<hbm>>
      %dma_wait3A_18 = tpu.memref_slice %arg4[%mul3A_16] : memref<1600000xf32, #tpu.memory_space<hbm>> -> memref<50000xf32, #tpu.memory_space<hbm>>
      tpu.wait_dma2 semaphore(%run_scoped3A : memref<!tpu.dma_semaphore, #tpu.memory_space<semaphore_mem>>) src(%arg5 : memref<50000xf32, #tpu.memory_space<vmem>>) dst(%dma_wait3A_18 : memref<50000xf32, #tpu.memory_space<hbm>>)
      tpu.yield
    }) : () -> ()
    return
  }
}

module attributes {stable_mosaic.version = 14 : i64} {
  func.func @_tc1_body(%arg0: memref<32x50000xf32, #tpu.memory_space<vmem>>, %arg1: memref<8x50000xf32, #tpu.memory_space<vmem>>, %arg2: memref<8x50000xf32, #tpu.memory_space<vmem>>, %arg3: memref<50000xf32, #tpu.memory_space<vmem>>) attributes {dimension_semantics = [], scalar_prefetch = 0 : i64, scratch_operands = 0 : i64, tpu.core_type = #tpu.core_type<tc>} {
    %get3A = arith.constant 0 : index
    %get3A_0 = arith.constant 0 : index
    %get3A_1 = vector.load %arg0[%get3A, %get3A_0] : memref<32x50000xf32, #tpu.memory_space<vmem>>, vector<32x50000xf32>
    %reduce_sum3A = arith.constant dense<0.000000e+00> : vector<50000xf32>
    %reduce_sum3A_2 = vector.multi_reduction <add>, %get3A_1, %reduce_sum3A [0] : vector<32x50000xf32> to vector<50000xf32>
    %add3A = arith.constant 1.000000e+00 : f32
    %add3A_3 = vector.broadcast %add3A : f32 to vector<50000xf32>
    %add3A_4 = arith.addf %add3A_3, %reduce_sum3A_2 : vector<50000xf32>
    %sqrt3A = math.sqrt %add3A_4 : vector<50000xf32>
    %div3A = arith.constant 1.000000e+00 : f32
    %div3A_5 = vector.broadcast %div3A : f32 to vector<50000xf32>
    %div3A_6 = arith.divf %div3A_5, %sqrt3A : vector<50000xf32>
    %swap3A = arith.constant 0 : index
    %swap3A_7 = vector.load %arg3[%swap3A] : memref<50000xf32, #tpu.memory_space<vmem>>, vector<50000xf32>
    tpu.vector_store %arg3[%swap3A], %div3A_6 {strides = array<i32>} : memref<50000xf32, #tpu.memory_space<vmem>>, vector<50000xf32>,
    %get3A_8 = arith.constant 0 : index
    %get3A_9 = arith.constant 0 : index
    %get3A_10 = vector.load %arg1[%get3A_8, %get3A_9] : memref<8x50000xf32, #tpu.memory_space<vmem>>, vector<8x50000xf32>
    %broadcast_in_dim3A = vector.shape_cast %div3A_6 : vector<50000xf32> to vector<1x50000xf32>
    %mul3A = vector.broadcast %broadcast_in_dim3A : vector<1x50000xf32> to vector<8x50000xf32>
    %mul3A_11 = arith.mulf %get3A_10, %mul3A : vector<8x50000xf32>
    %swap3A_12 = arith.constant 0 : index
    %swap3A_13 = arith.constant 0 : index
    %swap3A_14 = vector.load %arg2[%swap3A_12, %swap3A_13] : memref<8x50000xf32, #tpu.memory_space<vmem>>, vector<8x50000xf32>
    tpu.vector_store %arg2[%swap3A_12, %swap3A_13], %mul3A_11 {strides = array<i32>} : memref<8x50000xf32, #tpu.memory_space<vmem>>, vector<8x50000xf32>,
    return
  }
}

module attributes {stable_mosaic.version = 14 : i64} {
  func.func @_tc2_body(%arg0: memref<8x4x50000xf32, #tpu.memory_space<vmem>>, %arg1: memref<8x50000xf32, #tpu.memory_space<vmem>>, %arg2: memref<50000xf32, #tpu.memory_space<vmem>>, %arg3: memref<8x16xf32, #tpu.memory_space<vmem>>, %arg4: memref<16xf32, #tpu.memory_space<vmem>>, %arg5: memref<16x50000xf32, #tpu.memory_space<vmem>>, %arg6: memref<16x50000xf32, #tpu.memory_space<vmem>>, %arg7: memref<16x8xf32, #tpu.memory_space<vmem>>, %arg8: memref<1x8xf32, #tpu.memory_space<vmem>>, %arg9: memref<8xf32, #tpu.memory_space<vmem>>, %arg10: memref<1xf32, #tpu.memory_space<vmem>>, %arg11: memref<50000xf32, #tpu.memory_space<vmem>>, %arg12: memref<50000xf32, #tpu.memory_space<vmem>>) attributes {dimension_semantics = [], scalar_prefetch = 0 : i64, scratch_operands = 0 : i64, tpu.core_type = #tpu.core_type<tc>} {
    %get3A = arith.constant 0 : index
    %get3A_0 = vector.load %arg2[%get3A] : memref<50000xf32, #tpu.memory_space<vmem>>, vector<50000xf32>
    %get3A_1 = arith.constant 0 : index
    %get3A_2 = arith.constant 0 : index
    %get3A_3 = arith.constant 0 : index
    %get3A_4 = vector.load %arg0[%get3A_1, %get3A_2, %get3A_3] : memref<8x4x50000xf32, #tpu.memory_space<vmem>>, vector<8x4x50000xf32>
    %reduce_sum3A = arith.constant dense<0.000000e+00> : vector<8x50000xf32>
    %reduce_sum3A_5 = vector.multi_reduction <add>, %get3A_4, %reduce_sum3A [1] : vector<8x4x50000xf32> to vector<8x50000xf32>
    %broadcast_in_dim3A = vector.shape_cast %get3A_0 : vector<50000xf32> to vector<1x50000xf32>
    %mul3A = vector.broadcast %broadcast_in_dim3A : vector<1x50000xf32> to vector<8x50000xf32>
    %mul3A_6 = arith.mulf %mul3A, %reduce_sum3A_5 : vector<8x50000xf32>
    %mul3A_7 = arith.mulf %get3A_0, %get3A_0 : vector<50000xf32>
    %broadcast_in_dim3A_8 = vector.shape_cast %mul3A_7 : vector<50000xf32> to vector<1x50000xf32>
    %get3A_9 = arith.constant 0 : index
    %get3A_10 = arith.constant 0 : index
    %get3A_11 = vector.load %arg1[%get3A_9, %get3A_10] : memref<8x50000xf32, #tpu.memory_space<vmem>>, vector<8x50000xf32>
    %mul3A_12 = vector.broadcast %broadcast_in_dim3A_8 : vector<1x50000xf32> to vector<8x50000xf32>
    %mul3A_13 = arith.mulf %mul3A_12, %get3A_11 : vector<8x50000xf32>
    %add3A = arith.addf %mul3A_6, %mul3A_13 : vector<8x50000xf32>
    %get3A_14 = arith.constant 0 : index
    %get3A_15 = arith.constant 0 : index
    %get3A_16 = vector.load %arg3[%get3A_14, %get3A_15] : memref<8x16xf32, #tpu.memory_space<vmem>>, vector<8x16xf32>
    %dot_general3A = arith.constant dense<0.000000e+00> : vector<16x50000xf32>
    %dot_general3A_17 = tpu.matmul %get3A_16, %add3A, %dot_general3A {dimension_numbers = #tpu.dot_dimension_numbers<[0], [0], [1], [1], [0, 1, 1, 1], [], []>, precision = #tpu.contract_precision<fp32>, transpose_lhs_hint = false} : vector<8x16xf32>, vector<8x50000xf32>, vector<16x50000xf32> -> vector<16x50000xf32>
    %get3A_18 = arith.constant 0 : index
    %get3A_19 = vector.load %arg4[%get3A_18] : memref<16xf32, #tpu.memory_space<vmem>>, vector<16xf32>
    %broadcast_in_dim3A_20 = vector.shape_cast %get3A_19 : vector<16xf32> to vector<16x1xf32>
    %add3A_21 = vector.broadcast %broadcast_in_dim3A_20 : vector<16x1xf32> to vector<16x50000xf32>
    %add3A_22 = arith.addf %dot_general3A_17, %add3A_21 : vector<16x50000xf32>
    %reduce_sum3A_23 = vector.shape_cast %add3A_22 : vector<16x50000xf32> to vector<1x16x50000xf32>
    %reduce_sum3A_24 = arith.constant dense<0.000000e+00> : vector<1xf32>
    %reduce_sum3A_25 = vector.multi_reduction <add>, %reduce_sum3A_23, %reduce_sum3A_24 [1, 2] : vector<1x16x50000xf32> to vector<1xf32>
    %reduce_sum3A_26 = vector.shape_cast %reduce_sum3A_25 : vector<1xf32> to vector<1x1x1xf32>
    %reduce_sum3A_27 = vector.extract %reduce_sum3A_26[0, 0, 0] : f32 from vector<1x1x1xf32>
    %div3A = arith.constant 8.000000e+05 : f32
    %div3A_28 = arith.divf %reduce_sum3A_27, %div3A : f32
    %sub3A = vector.broadcast %div3A_28 : f32 to vector<16x50000xf32>
    %sub3A_29 = arith.subf %add3A_22, %sub3A : vector<16x50000xf32>
    %integer_pow3A = arith.mulf %sub3A_29, %sub3A_29 : vector<16x50000xf32>
    %reduce_sum3A_30 = vector.shape_cast %integer_pow3A : vector<16x50000xf32> to vector<1x16x50000xf32>
    %reduce_sum3A_31 = arith.constant dense<0.000000e+00> : vector<1xf32>
    %reduce_sum3A_32 = vector.multi_reduction <add>, %reduce_sum3A_30, %reduce_sum3A_31 [1, 2] : vector<1x16x50000xf32> to vector<1xf32>
    %reduce_sum3A_33 = vector.shape_cast %reduce_sum3A_32 : vector<1xf32> to vector<1x1x1xf32>
    %reduce_sum3A_34 = vector.extract %reduce_sum3A_33[0, 0, 0] : f32 from vector<1x1x1xf32>
    %div3A_35 = arith.constant 8.000000e+05 : f32
    %div3A_36 = arith.divf %reduce_sum3A_34, %div3A_35 : f32
    %add3A_37 = arith.constant 9.99999974E-6 : f32
    %add3A_38 = arith.addf %div3A_36, %add3A_37 : f32
    %sqrt3A = math.sqrt %add3A_38 : f32
    %div3A_39 = arith.constant 1.000000e+00 : f32
    %div3A_40 = arith.divf %div3A_39, %sqrt3A : f32
    %sub3A_41 = vector.broadcast %div3A_28 : f32 to vector<16x50000xf32>
    %sub3A_42 = arith.subf %add3A_22, %sub3A_41 : vector<16x50000xf32>
    %mul3A_43 = vector.broadcast %div3A_40 : f32 to vector<16x50000xf32>
    %mul3A_44 = arith.mulf %sub3A_42, %mul3A_43 : vector<16x50000xf32>
    %get3A_45 = arith.constant 0 : index
    %get3A_46 = arith.constant 0 : index
    %get3A_47 = vector.load %arg5[%get3A_45, %get3A_46] : memref<16x50000xf32, #tpu.memory_space<vmem>>, vector<16x50000xf32>
    %mul3A_48 = arith.mulf %mul3A_44, %get3A_47 : vector<16x50000xf32>
    %get3A_49 = arith.constant 0 : index
    %get3A_50 = arith.constant 0 : index
    %get3A_51 = vector.load %arg6[%get3A_49, %get3A_50] : memref<16x50000xf32, #tpu.memory_space<vmem>>, vector<16x50000xf32>
    %add3A_52 = arith.addf %mul3A_48, %get3A_51 : vector<16x50000xf32>
    %get3A_53 = arith.constant 0 : index
    %get3A_54 = arith.constant 0 : index
    %get3A_55 = vector.load %arg8[%get3A_53, %get3A_54] : memref<1x8xf32, #tpu.memory_space<vmem>>, vector<1x8xf32>
    %squeeze3A = vector.shape_cast %get3A_55 : vector<1x8xf32> to vector<8xf32>
    %get3A_56 = arith.constant 0 : index
    %get3A_57 = arith.constant 0 : index
    %get3A_58 = vector.load %arg7[%get3A_56, %get3A_57] : memref<16x8xf32, #tpu.memory_space<vmem>>, vector<16x8xf32>
    %broadcast_in_dim3A_59 = vector.shape_cast %squeeze3A : vector<8xf32> to vector<1x8xf32>
    %mul3A_60 = vector.broadcast %broadcast_in_dim3A_59 : vector<1x8xf32> to vector<16x8xf32>
    %mul3A_61 = arith.mulf %get3A_58, %mul3A_60 : vector<16x8xf32>
    %reduce_sum3A_62 = arith.constant dense<0.000000e+00> : vector<16xf32>
    %reduce_sum3A_63 = vector.multi_reduction <add>, %mul3A_61, %reduce_sum3A_62 [1] : vector<16x8xf32> to vector<16xf32>
    %broadcast_in_dim3A_64 = vector.shape_cast %reduce_sum3A_63 : vector<16xf32> to vector<16x1xf32>
    %mul3A_65 = vector.broadcast %broadcast_in_dim3A_64 : vector<16x1xf32> to vector<16x50000xf32>
    %mul3A_66 = arith.mulf %mul3A_65, %add3A_52 : vector<16x50000xf32>
    %reduce_sum3A_67 = arith.constant dense<0.000000e+00> : vector<50000xf32>
    %reduce_sum3A_68 = vector.multi_reduction <add>, %mul3A_66, %reduce_sum3A_67 [0] : vector<16x50000xf32> to vector<50000xf32>
    %get3A_69 = arith.constant 0 : index
    %get3A_70 = vector.load %arg9[%get3A_69] : memref<8xf32, #tpu.memory_space<vmem>>, vector<8xf32>
    %mul3A_71 = arith.mulf %get3A_70, %squeeze3A : vector<8xf32>
    %reduce_sum3A_72 = vector.shape_cast %mul3A_71 : vector<8xf32> to vector<1x8xf32>
    %reduce_sum3A_73 = arith.constant dense<0.000000e+00> : vector<1xf32>
    %reduce_sum3A_74 = vector.multi_reduction <add>, %reduce_sum3A_72, %reduce_sum3A_73 [1] : vector<1x8xf32> to vector<1xf32>
    %reduce_sum3A_75 = vector.shape_cast %reduce_sum3A_74 : vector<1xf32> to vector<1x1xf32>
    %reduce_sum3A_76 = vector.extract %reduce_sum3A_75[0, 0] : f32 from vector<1x1xf32>
    %get3A_77 = arith.constant 0 : index
    %get3A_78 = vector.load %arg10[%get3A_77] : memref<1xf32, #tpu.memory_space<vmem>>, vector<1xf32>
    %squeeze3A_79 = vector.extract %get3A_78[0] : f32 from vector<1xf32>
    %add3A_80 = arith.addf %reduce_sum3A_76, %squeeze3A_79 : f32
    %mul3A_81 = arith.mulf %get3A_0, %reduce_sum3A_68 : vector<50000xf32>
    %swap3A = arith.constant 0 : index
    %swap3A_82 = vector.load %arg11[%swap3A] : memref<50000xf32, #tpu.memory_space<vmem>>, vector<50000xf32>
    tpu.vector_store %arg11[%swap3A], %mul3A_81 {strides = array<i32>} : memref<50000xf32, #tpu.memory_space<vmem>>, vector<50000xf32>,
    %mul3A_83 = arith.mulf %get3A_0, %get3A_0 : vector<50000xf32>
    %mul3A_84 = arith.mulf %mul3A_83, %reduce_sum3A_68 : vector<50000xf32>
    %add3A_85 = vector.broadcast %add3A_80 : f32 to vector<50000xf32>
    %add3A_86 = arith.addf %mul3A_84, %add3A_85 : vector<50000xf32>
    %swap3A_87 = arith.constant 0 : index
    %swap3A_88 = vector.load %arg12[%swap3A_87] : memref<50000xf32, #tpu.memory_space<vmem>>, vector<50000xf32>
    tpu.vector_store %arg12[%swap3A_87], %add3A_86 {strides = array<i32>} : memref<50000xf32, #tpu.memory_space<vmem>>, vector<50000xf32>,
    return
  }
}

module attributes {stable_mosaic.version = 14 : i64} {
  func.func @_tc3_body(%arg0: memref<32x50000xf32, #tpu.memory_space<vmem>>, %arg1: memref<50000xf32, #tpu.memory_space<vmem>>, %arg2: memref<50000xf32, #tpu.memory_space<vmem>>, %arg3: memref<50000xf32, #tpu.memory_space<vmem>>) attributes {dimension_semantics = [], scalar_prefetch = 0 : i64, scratch_operands = 0 : i64, tpu.core_type = #tpu.core_type<tc>} {
    %get3A = arith.constant 0 : index
    %get3A_0 = arith.constant 0 : index
    %get3A_1 = vector.load %arg0[%get3A, %get3A_0] : memref<32x50000xf32, #tpu.memory_space<vmem>>, vector<32x50000xf32>
    %reduce_sum3A = arith.constant dense<0.000000e+00> : vector<50000xf32>
    %reduce_sum3A_2 = vector.multi_reduction <add>, %get3A_1, %reduce_sum3A [0] : vector<32x50000xf32> to vector<50000xf32>
    %get3A_3 = arith.constant 0 : index
    %get3A_4 = vector.load %arg1[%get3A_3] : memref<50000xf32, #tpu.memory_space<vmem>>, vector<50000xf32>
    %mul3A = arith.mulf %get3A_4, %reduce_sum3A_2 : vector<50000xf32>
    %get3A_5 = arith.constant 0 : index
    %get3A_6 = vector.load %arg2[%get3A_5] : memref<50000xf32, #tpu.memory_space<vmem>>, vector<50000xf32>
    %add3A = arith.addf %mul3A, %get3A_6 : vector<50000xf32>
    %swap3A = arith.constant 0 : index
    %swap3A_7 = vector.load %arg3[%swap3A] : memref<50000xf32, #tpu.memory_space<vmem>>, vector<50000xf32>
    tpu.vector_store %arg3[%swap3A], %add3A {strides = array<i32>} : memref<50000xf32, #tpu.memory_space<vmem>>, vector<50000xf32>,
    return
  }
}

</mosaic_0001>

<sc_bundles>
// kernel: kernel.11.cloned.1.call-start
scs
__scs_entry_jumppad:
0x0: {  	(pc) =	sbr.rel $0x88, $3  }
0x1: {  	(tag) =	ssettag $0x0;
	lr =	simm.s32 $0x1  }
0x2: {  	[smem:$0x3F96] =	sst lr;
	_ =	strace $0xD0000000  }
0x3: {  	_ = 	snop  }
0x4: {  	_ = 	snop  }
0x5: {  	_ = 	snop  }
0x6: {  	_ = 	snop  }
0x7: {  	_ = 	snop  }
__scs_overlays_trampoline_lowered:
0x8: {  	[smem:$0x3FA5] =	sst s0  }
0x9: {  	[smem:$0x3FA6] =	sst s1  }
0xa: {  	[smem:$0x3FA7] =	sst s2  }
0xb: {  	[smem:$0x3FA8] =	sst s3  }
0xc: {  	[smem:$0x3FA9] =	sst s4  }
0xd: {  	[smem:$0x3FAA] =	sst s5  }
0xe: {  	[smem:$0x3FAB] =	sst s6  }
0xf: {  	[smem:$0x3FAC] =	sst s7  }
0x10: {  	[smem:$0x3FAD] =	sst s8  }
0x11: {  	[smem:$0x3FAE] =	sst s9;
	s0 =	simm.s32 @!p0 $0x0  }
0x12: {  	s1 =	sld [smem:$0x3F94];
	s0 =	simm.s32 @p0 $0x1  }
0x13: {  	[smem:$0x3FAF] =	sst s0;
	s0 =	simm.s32 @!p1 $0x0  }
0x14: {  	s2 =	sld [smem:$0x3F93];
	s0 =	simm.s32 @p1 $0x1  }
0x15: {  	[smem:$0x3FB0] =	sst s0;
	s0 =	simm.s32 @!p2 $0x0  }
0x16: {  	s3 =	sld [smem:$0x3FDB];
	s0 =	simm.s32 @p2 $0x1  }
0x17: {  	s4 =	simm.s32 $0x1BF5;
	[smem:$0x3FB2] =	sst s0  }
0x18: {  	s0 =	sld [smem:$0x3F95];
	_ =	swait.ge [sflag:s4], $0x0  }
0x19: {  	s7 =	sld [smem:$0x3F96]  }
0x1a: {  	s8 =	sadd.s32 $0xFFFFE003, lr  }
0x1b: {  	s9 =	sadd.s32 $0xFFFFFEF7, lr;
	s5 =	simm.s32 $0xFFFFFFFF;
	p2 =	slt.u32 s8, $0xFFFFF086  }
0x1c: {  	p1 =	slt.u32 s9, $0xF7A;
	s5 =	simm.s32 @!p2 $0x0  }
0x1d: {  	s5 =	simm.s32 @p1 $0x1;
	p0 =	seq.s32 s7, s2  }
0x1e: {  	s7 =	smul.u32 @!p0 $0xF7A, s2;
	p2 =	seq.s32 @!p0 s5, $0x0  }
0x1f: {  	s9 =	smul.u32 $0xF7A, s1;
	s8 =	simm.s32 @!p0 $0x1BF5;
	p2 =	por !p2, p0  }
0x20: {  	[sflag:s8] =	ssyncset.s32 @!p0 $0xFFFFF086;
	s6 =	sadd.s32 @!p0 s3, s7;
	s7 =	simm.s32 @!p0 $0x108  }
0x21: {  	s3 =	sadd.s32 s3, s9;
	s6 =	sadd.s32 @!p0 $0x88, s6;
	s7 =	simm.s32 @p2 $0x1082  }
0x22: {  	[simem:s7], [sflag:s8] =	dma.local @!p0 [hbm:s6], $0xF7A  }
0x23: {  	s9 =	sor.u32 $0xD0000000, s2;
	s6 =	simm.s32 $0x108;
	_ =	swait.ge @!p0 [sflag:s8], $0x0  }
0x24: {  	s3 =	sadd.s32 $0x88, s3;
	s6 =	simm.s32 @!p1 $0x1082;
	[sflag:s4] =	ssyncset.s32 $0xFFFFF086  }
0x25: {  	[simem:s6], [sflag:s4] =	dma.local [hbm:s3], $0xF7A  }
0x26: {  	[smem:$0x3F96] =	sst s1;
	(tag) =	ssettag s2;
	_ =	strace s9  }
0x27: {  	s1 =	sld [smem:$0x3FA6]  }
0x28: {  	s2 =	sld [smem:$0x3FA7]  }
0x29: {  	s4 =	sld [smem:$0x3FA9]  }
0x2a: {  	p0 =	seq.s32 s5, $0x0;
	s5 =	sld [smem:$0x3FAA]  }
0x2b: {  	s6 =	sld [smem:$0x3FAB]  }
0x2c: {  	s7 =	sld [smem:$0x3FAC]  }
0x2d: {  	s3 =	simm.s32 $0x108;
	s8 =	sld [smem:$0x3FAD]  }
0x2e: {  	s3 =	simm.s32 @!p0 $0x1082;
	s9 =	sld [smem:$0x3FAE]  }
0x2f: {  	lr =	sadd.s32 s0, s3;
	s0 =	sld [smem:$0x3FA5]  }
0x30: {  	s3 =	sld [smem:$0x3FA8]  }
0x31: {  	[smem:$0x3FB1] =	sst s10  }
0x32: {  	s10 =	sld [smem:$0x3FAF];
	_ =	sdelay $0x3  }
0x33: {  	p0 =	seq.s32 s10, $0x1;
	s10 =	sld [smem:$0x3FB1];
	_ =	sdelay $0x3  }
0x34: {  	[smem:$0x3FB1] =	sst s10  }
0x35: {  	s10 =	sld [smem:$0x3FB0];
	_ =	sdelay $0x3  }
0x36: {  	p1 =	seq.s32 s10, $0x1;
	s10 =	sld [smem:$0x3FB1];
	_ =	sdelay $0x3  }
0x37: {  	[smem:$0x3FB1] =	sst s10  }
0x38: {  	s10 =	sld [smem:$0x3FB2]  }
0x39: {  	_ = 	snop;
	(pc) =	sbr.ind lr, $3  }
0x3a: {  	_ = 	snop  }
0x3b: {  	_ = 	snop  }
0x3c: {  	p2 =	seq.s32 s10, $0x1;
	s10 =	sld [smem:$0x3FB1]  }
0x3d: {  	_ =	shalt  }
0x3e: {  	_ =	shalt  }
0x3f: {  	_ =	shalt  }
0x40: {  	_ =	shalt  }
0x41: {  	_ =	shalt  }
0x42: {  	_ =	shalt  }
0x43: {  	_ =	shalt  }
0x44: {  	_ =	shalt  }
0x45: {  	_ =	shalt  }
0x46: {  	_ =	shalt  }
0x47: {  	_ =	shalt  }
0x48: {  	_ =	shalt  }
0x49: {  	_ =	shalt  }
0x4a: {  	_ =	shalt  }
0x4b: {  	_ =	shalt  }
0x4c: {  	_ =	shalt  }
0x4d: {  	_ =	shalt  }
0x4e: {  	_ =	shalt  }
0x4f: {  	_ =	shalt  }
0x50: {  	_ =	shalt  }
0x51: {  	_ =	shalt  }
0x52: {  	_ =	shalt  }
0x53: {  	_ =	shalt  }
0x54: {  	_ =	shalt  }
0x55: {  	_ =	shalt  }
0x56: {  	_ =	shalt  }
0x57: {  	_ =	shalt  }
0x58: {  	_ =	shalt  }
0x59: {  	_ =	shalt  }
0x5a: {  	_ =	shalt  }
0x5b: {  	_ =	shalt  }
0x5c: {  	_ =	shalt  }
0x5d: {  	_ =	shalt  }
0x5e: {  	_ =	shalt  }
0x5f: {  	_ =	shalt  }
0x60: {  	_ =	shalt  }
0x61: {  	_ =	shalt  }
0x62: {  	_ =	shalt  }
0x63: {  	_ =	shalt  }
0x64: {  	_ =	shalt  }
0x65: {  	_ =	shalt  }
0x66: {  	_ =	shalt  }
0x67: {  	_ =	shalt  }
0x68: {  	_ =	shalt  }
0x69: {  	_ =	shalt  }
0x6a: {  	_ =	shalt  }
0x6b: {  	_ =	shalt  }
0x6c: {  	_ =	shalt  }
0x6d: {  	_ =	shalt  }
0x6e: {  	_ =	shalt  }
0x6f: {  	_ =	shalt  }
0x70: {  	_ =	shalt  }
0x71: {  	_ =	shalt  }
0x72: {  	_ =	shalt  }
0x73: {  	_ =	shalt  }
0x74: {  	_ =	shalt  }
0x75: {  	_ =	shalt  }
0x76: {  	_ =	shalt  }
0x77: {  	_ =	shalt  }
0x78: {  	_ =	shalt  }
0x79: {  	_ =	shalt  }
0x7a: {  	_ =	shalt  }
0x7b: {  	_ =	shalt  }
0x7c: {  	_ =	shalt  }
0x7d: {  	_ =	shalt  }
0x7e: {  	_ =	shalt  }
0x7f: {  	_ =	shalt  }
0x80: {  	_ =	shalt  }
0x81: {  	_ =	shalt  }
0x82: {  	_ =	shalt  }
0x83: {  	_ =	shalt  }
0x84: {  	_ =	shalt  }
0x85: {  	_ =	shalt  }
0x86: {  	_ =	shalt  }
0x87: {  	_ =	shalt  }
.Lfunc_end0:
.L_simem_size_0:
called_computation.1_lowered:
.L_overlay_start_0:
0x88: {  	s2 =	sld [smem:$0x3FD9]  }
0x89: {  	s3 =	sld [smem:$0x3FFE];
	_ =	sdelay $0x1  }
0x8a: {  	s1 =	srdreg.scid  }
0x8b: {  	s0 =	sand.u32 $0x1, s1  }
0x8c: {  	s17 =	sshll.u32 s0, $0xA;
	s2 =	sadd.s32 s3, s2  }
0x8d: {  	s2 =	sadd.s32 s2, s17  }
0x8e: {  	[smem:$0x3FBD] =	sst s2  }
0x8f: {  	_ = 	snop  }
0x90: {  	s2 =	sld [smem:$0x3FC7];
	(tm) =	ssettm $0x1  }
0x91: {  	s18 =	sld [smem:$0x3FFB];
	_ =	sdelay $0x3  }
0x92: {  	_ =	strace s18  }
0x93: {  	s3 =	sld [smem:$0x3FFC];
	_ =	sdelay $0x3  }
0x94: {  	_ =	strace s3  }
0x95: {  	s3 =	sld [smem:$0x3FFD];
	_ =	sdelay $0x3  }
0x96: {  	_ =	strace s3  }
0x97: {  	_ =	strace $0x8FFFFFFF  }
0x98: {  	s19 =	sld [smem:$0x3FDB];
	_ =	sdelay $0x1  }
0x99: {  	s4 =	simm.s32 $_scs_section_size  }
0x9a: {  	s5 =	simm.s32 $_size__tile_overlayer_lowered;
	s6 =	simm.s32 $_tile_overlayer_lowered  }
0x9b: {  	s22 =	simm.s32 $0x1BFF;
	s21 =	sshll.u32 s6, $0x1;
	s3 =	sadd.s32 s4, s19  }
0x9c: {  	s7 =	simm.s32 $0x0;
	s20 =	sshll.u32 s5, $0x1;
	s5 =	sadd.s32 s21, s3  }
0x9d: {  	[timem:s7], [sflag:s22] =	dma.local [hbm:s5], s20  }
0x9e: {  	_ =	swait.ge [sflag:s22], s20  }
0x9f: {  	s4 =	ssub.s32 $0x0, s20;
	[sflag:s22] =	ssyncset.done $0x0  }
0xa0: {  	[sflag:s22] =	ssyncadd.s32 s4;
	_ =	sdelay $0x1  }
0xa1: {  	s23 =	simm.s32 $0x1B8B  }
0xa2: {  	_ =	swait.ge [sflag:s23], $0x1  }
0xa3: {  	[sflag:s23] =	ssyncset.done $0x0  }
0xa4: {  	s25 =	simm.s32 $0x1B8E;
	s24 =	sld [smem:$0x3FFE];
	[sflag:s23] =	ssyncadd.s32 $0xFFFFFFFF  }
0xa5: {  	s26 =	simm.s32 $execute0_lowered;
	[smem:$0x3FD2] =	sst s25  }
0xa6: {  	s5 =	sshll.u32 s26, $0x1;
	_ =	strace $0x80000049;
	[dreg:$0x1] =	wrdreg $0xFFFFFFFF  }
0xa7: {  	s28 =	simm.s32 $_size_execute0_lowered;
	s3 =	sadd.s32 s3, s5;
	[dreg:$0x0] =	wrdreg $0x0  }
0xa8: {  	s5 =	sshll.u32 s28, $0x1;
	[dreg:$0x2] =	wrdreg s3  }
0xa9: {  	[dreg:$0x3] =	wrdreg s5  }
0xaa: {  	[dreg:$0x4] =	wrdreg $0xC0  }
0xab: {  	_ =	task [dreg:s7], $0x5FFFF  }
0xac: {  	[dreg:$0x1] =	wrdreg $0xFFFFFFFF  }
0xad: {  	[dreg:$0x0] =	wrdreg $0x60  }
0xae: {  	[dreg:$0x2] =	wrdreg s24  }
0xaf: {  	[dreg:$0x3] =	wrdreg s2  }
0xb0: {  	[dreg:$0x4] =	wrdreg $0x9  }
0xb1: {  	_ =	task.clear_ibuf [dreg:s7], $0x5FFFF;
	_ =	strace $0x90000049  }
0xb2: {  	s29 =	simm.s32 $0x9;
	_ =	strace $0x8000004B  }
0xb3: {  	_ =	swait.ge [sflag:s29], $0x1  }
0xb4: {  	[sflag:s29] =	ssyncadd.s32 $0xFFFFFFFF  }
0xb5: {  	_ =	strace $0x9000004B  }
0xb6: {  	_ =	sfence  }
0xb7: {  	s30 =	sld [smem:$0x0];
	_ =	sdelay $0x2  }
0xb8: {  	s31 =	sshll.u32 s1, $0xD;
	s1 =	sshrl.u32 s1, $0x2  }
0xb9: {  	s3 =	sand.u32 $0x4000, s31;
	s1 =	sadd.s32 s1, s30  }
0xba: {  	s0 =	sor.u32 s3, s0;
	s1 =	sshll.u32 s1, $0x11  }
0xbb: {  	s0 =	sor.u32 s1, s0  }
0xbc: {  	s0 =	sadd.s32 $0x8F2B, s0  }
0xbd: {  	[sflag:s0] =	ssyncadd.remote.s32 $0x1  }
0xbe: {  	_ =	sfence.sel $0xFFFF  }
0xbf: {  	[dreg:$0x0] =	wrdreg $0xFFFFFFFF;
	(pc) =	sbr.abs _section_cstart, $3  }
0xc0: {  	[dreg:$0x1] =	wrdreg $0xFFFFFFFF  }
0xc1: {  	_ =	task.clear_ibuf [dreg:s7], $0x2FFFF;
	_ =	strace $0x9FFFFFFF  }
0xc2: {  	(tm) =	ssettm $0x7FFFFFFF  }
0xc3: {  	_ =	shalt  }
tec
execute0_lowered:
.L_overlay_start_1:
0x0: {  	(tag) =	ssettag $0x1  }
0x1: {  	s6 =	rddreg [dreg:$0x0]  }
0x2: {  	s2 =	rddreg [dreg:$0x1]  }
0x3: {  	s0 =	rddreg [dreg:$0x2];
	s4 =	srdreg.scid  }
0x4: {  	s3 =	simm.s32 $0x0;
	s1 =	stileid.u32;
	s12 =	simm.s32 $0x1AE80  }
0x5: {  	s13 =	simm.s32 $0x1D600;
	s14 =	simm.s32 $0xC380;
	s15 =	simm.s32 $0x0  }
0x6: {  	s5 =	sand.u32 $0x1, s4;
	s30 =	sand.u32 $0x7, s1;
	s8 =	sshrl.u32 s1, $0x3  }
0x7: {  	[smem:$0x7FF] =	sst s3;
	s4 =	sadd.s32 $0x32800, s6;
	s7 =	sshll.u32 s5, $0x1  }
0x8: {  	s31 =	sshll.u32 s30, $0x2;
	_ =	strace $0x8000004A;
	s7 =	sor.u32 s8, s7  }
0x9: {  	s9 =	smul.u32 $0x186A, s30;
	s10 =	ssub.s32 $0x2, s5;
	s8 =	sor.u32 s7, s31  }
0xa: {  	s5 =	sadd.s32 $0x1A00, s6;
	s11 =	sshrl.u32 s10, $0x1;
	s8 =	smul.u32 $0x186A, s8  }
0xb: {  	s9 =	sadd.s32 s9, s6;
	s10 =	ssub.s32 s10, s11;
	s11 =	simm.s32 $0x18700  }
0xc: {  	s8 =	sadd.s32 s8, s6;
	s6 =	smul.u32 $0x61A80, s7;
	s7 =	sadd.s32 $0x63600, s9  }
0xd: {  	v0 =	vimm.f32 $0.0e+00;
	s9 =	smax.u32 s10, $0x1;
	s10 =	simm.s32 $0x1;
	s8 =	sadd.s32 $0x6FA00, s8  }
.LBB2_1:
0xe: {  	[tilespmem:s3], [sflag:$0x1] =	stream.linear.gather [hbm4b:s7+s3], $0xC350, $0x38;
	[tilespmem:$0x1FD80] =	vst v63  }
0xf: {  	_ =	swait.ge [sflag:s10], $0xC350  }
0x10: {  	[sflag:s10] =	ssyncset.done $0x0  }
0x11: {  	s16 =	simm.s32 $0x40;
	s17 =	simm.s32 $0x0;
	[sflag:s10] =	ssyncadd.s32 $0xFFFF3CB0  }
.LBB2_2:
0x12: {  	p0 =	sne.s32 s16, $0x30D00;
	[tilespmem:s17+$0xC380] =	vst v0;
	s17 =	smov.u32 s16;
	s16 =	sadd.s32 $0x40, s16  }
.Ltmp0:
0x13: {  	(pc) =	sbr.rel @p0 .LBB2_2-.Ltmp0, $2  }
0x14: {  	_ =	sdelay $0x2  }
0x15: {  	s17 =	sshra.s32 s17, $0x2  }
0x16: {  	[tilespmem:s17+$0xC380] =	vst v0;
	s16 =	simm.s32 $0x0;
	s17 =	simm.s32 $0x0  }
.LBB2_4:
0x17: {  	s18 =	smul.u32 $0x2710, s17;
	_ =	sdelay $0x1  }
0x18: {  	s18 =	sadd.s32 s6, s18  }
0x19: {  	s18 =	sshrl.u32 s18, $0x3  }
0x1a: {  	s19 =	sadd.s32 s4, s18  }
0x1b: {  	[tilespmem:s11], [sflag:$0x1] =	stream.linear.gather [hbm4b:s19+s16], $0x2710, $0x38;
	[tilespmem:$0x1FD80] =	vst v63  }
0x1c: {  	_ =	swait.ge [sflag:s10], $0x2710  }
0x1d: {  	[sflag:s10] =	ssyncset.done $0x0  }
0x1e: {  	s31 =	sadd.s32 s5, s18;
	[sflag:s10] =	ssyncadd.s32 $0xFFFFD8F0  }
0x1f: {  	[tilespmem:s12], [sflag:$0x1] =	stream.linear.gather [hbm4b:s31+s16], $0x2710, $0x38;
	[tilespmem:$0x1FD80] =	vst v63  }
0x20: {  	_ =	swait.ge [sflag:s10], $0x2710  }
0x21: {  	[sflag:s10] =	ssyncset.done $0x0  }
0x22: {  	s18 =	sadd.s32 s2, s18;
	[sflag:s10] =	ssyncadd.s32 $0xFFFFD8F0  }
0x23: {  	[tilespmem:s13], [sflag:$0x1] =	stream.linear.gather [hbm4b:s18+s16], $0x2710, $0x38;
	[tilespmem:$0x1FD80] =	vst v63  }
0x24: {  	_ =	swait.ge [sflag:s10], $0x2710  }
0x25: {  	[sflag:s10] =	ssyncset.done $0x0  }
0x26: {  	s18 =	simm.s32 $0x0;
	[sflag:s10] =	ssyncadd.s32 $0xFFFFD8F0  }
.LBB2_5:
0x27: {  	s19 =	sshra.s32 s18, $0x2  }
0x28: {  	v1 =	vld [tilespmem:s19+$0x18700]  }
0x29: {  	v2 =	vld [tilespmem:s19+$0x18710]  }
0x2a: {  	v3 =	vld [tilespmem:s19+$0x18720]  }
0x2b: {  	v4 =	vld [tilespmem:s19+$0x18730]  }
0x2c: {  	v5 =	vld [tilespmem:s19+$0x1D600]  }
0x2d: {  	v6 =	vld [tilespmem:s19+$0x1D610]  }
0x2e: {  	v7 =	vld [tilespmem:s19+$0x18740]  }
0x2f: {  	v8 =	vld [tilespmem:s19+$0x1D620]  }
0x30: {  	v9 =	vld [tilespmem:s19+$0x18750]  }
0x31: {  	v10 =	vld [tilespmem:s19+$0x18760]  }
0x32: {  	v11 =	vld [tilespmem:s19+$0x1D630]  }
0x33: {  	v12 =	vld [tilespmem:s19+$0x18770]  }
0x34: {  	v13 =	vld [tilespmem:s19+$0x1AE80]  }
0x35: {  	v14 =	vld [tilespmem:s19+$0x1D640]  }
0x36: {  	v15 =	vld [tilespmem:s19+$0x1D650]  }
0x37: {  	v16 =	vld [tilespmem:s19+$0x1D660]  }
0x38: {  	v63 =	vld [tilespmem:s19+$0x1D670]  }
0x39: {  	v1 =	vld.idx.msk [tilespmem:v1+s3+$0x0], $0xffff  }
0x3a: {  	v2 =	vld.idx.msk [tilespmem:v2+s3+$0x0], $0xffff  }
0x3b: {  	v3 =	vld.idx.msk [tilespmem:v3+s3+$0x0], $0xffff  }
0x3c: {  	v4 =	vld.idx.msk [tilespmem:v4+s3+$0x0], $0xffff  }
0x3d: {  	v7 =	vld.idx.msk [tilespmem:v7+s3+$0x0], $0xffff  }
0x3e: {  	v9 =	vld.idx.msk [tilespmem:v9+s3+$0x0], $0xffff  }
0x3f: {  	v10 =	vld.idx.msk [tilespmem:v10+s3+$0x0], $0xffff;
	v1 =	vmul.f32 v5, v1  }
0x40: {  	v62 =	vld.idx.msk [tilespmem:v12+s3+$0x0], $0xffff  }
0x41: {  	[tilespmem:v13+s14+$0x0] =	vst.idx.add.f32.msk $0xffff, v1  }
0x42: {  	v1 =	vld [tilespmem:s19+$0x1AE90];
	_ =	sdelay $0x5  }
0x43: {  	v2 =	vmul.f32 v6, v2;
	_ =	sdelay $0x1  }
0x44: {  	[tilespmem:v1+s14+$0x0] =	vst.idx.add.f32.msk $0xffff, v2  }
0x45: {  	v1 =	vld [tilespmem:s19+$0x1AEA0];
	_ =	sdelay $0x5  }
0x46: {  	v2 =	vmul.f32 v8, v3;
	_ =	sdelay $0x1  }
0x47: {  	[tilespmem:v1+s14+$0x0] =	vst.idx.add.f32.msk $0xffff, v2  }
0x48: {  	v1 =	vld [tilespmem:s19+$0x1AEB0];
	_ =	sdelay $0x5  }
0x49: {  	v2 =	vmul.f32 v11, v4;
	_ =	sdelay $0x1  }
0x4a: {  	[tilespmem:v1+s14+$0x0] =	vst.idx.add.f32.msk $0xffff, v2  }
0x4b: {  	v1 =	vld [tilespmem:s19+$0x1AEC0];
	_ =	sdelay $0x5  }
0x4c: {  	v2 =	vmul.f32 v14, v7;
	_ =	sdelay $0x1  }
0x4d: {  	[tilespmem:v1+s14+$0x0] =	vst.idx.add.f32.msk $0xffff, v2  }
0x4e: {  	v1 =	vld [tilespmem:s19+$0x1AED0];
	_ =	sdelay $0x5  }
0x4f: {  	v2 =	vmul.f32 v15, v9;
	_ =	sdelay $0x1  }
0x50: {  	[tilespmem:v1+s14+$0x0] =	vst.idx.add.f32.msk $0xffff, v2  }
0x51: {  	v1 =	vld [tilespmem:s19+$0x1AEE0];
	_ =	sdelay $0x5  }
0x52: {  	v2 =	vmul.f32 v16, v10;
	_ =	sdelay $0x1  }
0x53: {  	[tilespmem:v1+s14+$0x0] =	vst.idx.add.f32.msk $0xffff, v2  }
0x54: {  	v1 =	vld [tilespmem:s19+$0x1AEF0];
	_ =	sdelay $0x2  }
0x55: {  	p0 =	sne.s32 s18, $0x9A00  }
.Ltmp1:
0x56: {  	_ = 	snop;
	(pc) =	sbr.rel @p0 .LBB2_5-.Ltmp1, $3  }
0x57: {  	_ = 	snop  }
0x58: {  	v2 =	vmul.f32 v63, v62;
	_ =	sdelay $0x1  }
0x59: {  	s18 =	sadd.s32 $0x200, s18;
	[tilespmem:v1+s14+$0x0] =	vst.idx.add.f32.msk $0xffff, v2  }
0x5a: {  	v1 =	vld [tilespmem:$0x1AE00];
	_ =	sdelay $0x5  }
0x5b: {  	v2 =	vld [tilespmem:$0x1D580]  }
0x5c: {  	v3 =	vld [tilespmem:$0x1FD00]  }
0x5d: {  	v1 =	vld.idx.msk [tilespmem:v1+s3+$0x0], $0xffff  }
0x5e: {  	s17 =	sadd.s32 $0x1, s17  }
0x5f: {  	p0 =	sne.s32 s17, $0x28  }
.Ltmp2:
0x60: {  	_ = 	snop;
	(pc) =	sbr.rel @p0 .LBB2_4-.Ltmp2, $3  }
0x61: {  	_ = 	snop  }
0x62: {  	v1 =	vmul.f32 v3, v1;
	_ =	sdelay $0x1  }
0x63: {  	[tilespmem:v2+s14+$0x0] =	vst.idx.add.f32.msk $0xffff, v1  }
0x64: {  	s15 =	sadd.s32 $0x1, s15  }
0x65: {  	p0 =	sne.s32 s15, s9  }
.Ltmp3:
0x66: {  	_ = 	snop;
	(pc) =	sbr.rel @p0 .LBB2_1-.Ltmp3, $4  }
0x67: {  	[hbm4b:s8+s3] =	stream.linear.scatter [tilespmem:s14], [sflag:$0x1], $0xC350, $0x38;
	[tilespmem:$0x1FD80] =	vst v63  }
0x68: {  	_ =	swait.ge [sflag:s10], $0xC350  }
0x69: {  	[sflag:s10] =	ssyncset.done $0x0  }
0x6a: {  	[sflag:s10] =	ssyncadd.s32 $0xFFFF3CB0  }
0x6b: {  	_ =	sfence.sel $0x180000  }
0x6c: {  	[bflag:$0x0] =	sbarrier.arrive $0xFFFF  }
0x6d: {  	p0 =	sne.s32 s1, $0x0;
	_ =	strace $0x9000004A  }
0x6e: {  	s0 =	sadd.s32 @!p0 $0x100000, s0;
	[bflag:$0x2] =	sbarrier.arrive $0xFFFF  }
0x6f: {  	[sflag:s0] =	ssyncadd.tile.s32 @!p0 $0x1;
	_ =	shalt  }
.Lfunc_end2:
_tile_overlayer_lowered:
.L_overlay_start_2:
0x70: {  	(tag) =	ssettag $0x2  }
0x71: {  	s0 =	rddreg [dreg:$0x0];
	s2 =	stileid.u32  }
0x72: {  	s1 =	rddreg [dreg:$0x1];
	p0 =	sne.s32 s2, $0x0  }
0x73: {  	s3 =	rddreg [dreg:$0x2];
	[bflag:$0x3] =	sbarrier.arrive $0xFFFF;
	s2 =	simm.s32 @!p0 $0x1C01  }
0x74: {  	[timem:s3], [sflag:s2] =	dma.local @!p0 [hbm:s0], s1  }
0x75: {  	s0 =	simm.s32 @!p0 $0x1  }
0x76: {  	_ =	swait.ge @!p0 [sflag:s0], s1  }
0x77: {  	s1 =	ssub.s32 @!p0 $0x0, s1;
	[sflag:s0] =	ssyncset.done @!p0 $0x0  }
0x78: {  	[sflag:s0] =	ssyncadd.s32 @!p0 s1  }
0x79: {  	[bflag:$0x3] =	sbarrier.arrive $0xFFFF  }
0x7a: {  	_ =	shalt  }

// kernel: kernel.14.cloned.1.call-start
scs
__scs_entry_jumppad:
0x0: {  	(pc) =	sbr.rel $0x88, $3  }
0x1: {  	(tag) =	ssettag $0x0;
	lr =	simm.s32 $0x1  }
0x2: {  	[smem:$0x3F96] =	sst lr;
	_ =	strace $0xD0000000  }
0x3: {  	_ = 	snop  }
0x4: {  	_ = 	snop  }
0x5: {  	_ = 	snop  }
0x6: {  	_ = 	snop  }
0x7: {  	_ = 	snop  }
__scs_overlays_trampoline_lowered:
0x8: {  	[smem:$0x3FA5] =	sst s0  }
0x9: {  	[smem:$0x3FA6] =	sst s1  }
0xa: {  	[smem:$0x3FA7] =	sst s2  }
0xb: {  	[smem:$0x3FA8] =	sst s3  }
0xc: {  	[smem:$0x3FA9] =	sst s4  }
0xd: {  	[smem:$0x3FAA] =	sst s5  }
0xe: {  	[smem:$0x3FAB] =	sst s6  }
0xf: {  	[smem:$0x3FAC] =	sst s7  }
0x10: {  	[smem:$0x3FAD] =	sst s8  }
0x11: {  	[smem:$0x3FAE] =	sst s9;
	s0 =	simm.s32 @!p0 $0x0  }
0x12: {  	s1 =	sld [smem:$0x3F94];
	s0 =	simm.s32 @p0 $0x1  }
0x13: {  	[smem:$0x3FAF] =	sst s0;
	s0 =	simm.s32 @!p1 $0x0  }
0x14: {  	s2 =	sld [smem:$0x3F93];
	s0 =	simm.s32 @p1 $0x1  }
0x15: {  	[smem:$0x3FB0] =	sst s0;
	s0 =	simm.s32 @!p2 $0x0  }
0x16: {  	s3 =	sld [smem:$0x3FDB];
	s0 =	simm.s32 @p2 $0x1  }
0x17: {  	s4 =	simm.s32 $0x1BF5;
	[smem:$0x3FB2] =	sst s0  }
0x18: {  	s0 =	sld [smem:$0x3F95];
	_ =	swait.ge [sflag:s4], $0x0  }
0x19: {  	s7 =	sld [smem:$0x3F96]  }
0x1a: {  	s8 =	sadd.s32 $0xFFFFE003, lr  }
0x1b: {  	s9 =	sadd.s32 $0xFFFFFEF7, lr;
	s5 =	simm.s32 $0xFFFFFFFF;
	p2 =	slt.u32 s8, $0xFFFFF086  }
0x1c: {  	p1 =	slt.u32 s9, $0xF7A;
	s5 =	simm.s32 @!p2 $0x0  }
0x1d: {  	s5 =	simm.s32 @p1 $0x1;
	p0 =	seq.s32 s7, s2  }
0x1e: {  	s7 =	smul.u32 @!p0 $0xF7A, s2;
	p2 =	seq.s32 @!p0 s5, $0x0  }
0x1f: {  	s9 =	smul.u32 $0xF7A, s1;
	s8 =	simm.s32 @!p0 $0x1BF5;
	p2 =	por !p2, p0  }
0x20: {  	[sflag:s8] =	ssyncset.s32 @!p0 $0xFFFFF086;
	s6 =	sadd.s32 @!p0 s3, s7;
	s7 =	simm.s32 @!p0 $0x108  }
0x21: {  	s3 =	sadd.s32 s3, s9;
	s6 =	sadd.s32 @!p0 $0x88, s6;
	s7 =	simm.s32 @p2 $0x1082  }
0x22: {  	[simem:s7], [sflag:s8] =	dma.local @!p0 [hbm:s6], $0xF7A  }
0x23: {  	s9 =	sor.u32 $0xD0000000, s2;
	s6 =	simm.s32 $0x108;
	_ =	swait.ge @!p0 [sflag:s8], $0x0  }
0x24: {  	s3 =	sadd.s32 $0x88, s3;
	s6 =	simm.s32 @!p1 $0x1082;
	[sflag:s4] =	ssyncset.s32 $0xFFFFF086  }
0x25: {  	[simem:s6], [sflag:s4] =	dma.local [hbm:s3], $0xF7A  }
0x26: {  	[smem:$0x3F96] =	sst s1;
	(tag) =	ssettag s2;
	_ =	strace s9  }
0x27: {  	s1 =	sld [smem:$0x3FA6]  }
0x28: {  	s2 =	sld [smem:$0x3FA7]  }
0x29: {  	s4 =	sld [smem:$0x3FA9]  }
0x2a: {  	p0 =	seq.s32 s5, $0x0;
	s5 =	sld [smem:$0x3FAA]  }
0x2b: {  	s6 =	sld [smem:$0x3FAB]  }
0x2c: {  	s7 =	sld [smem:$0x3FAC]  }
0x2d: {  	s3 =	simm.s32 $0x108;
	s8 =	sld [smem:$0x3FAD]  }
0x2e: {  	s3 =	simm.s32 @!p0 $0x1082;
	s9 =	sld [smem:$0x3FAE]  }
0x2f: {  	lr =	sadd.s32 s0, s3;
	s0 =	sld [smem:$0x3FA5]  }
0x30: {  	s3 =	sld [smem:$0x3FA8]  }
0x31: {  	[smem:$0x3FB1] =	sst s10  }
0x32: {  	s10 =	sld [smem:$0x3FAF];
	_ =	sdelay $0x3  }
0x33: {  	p0 =	seq.s32 s10, $0x1;
	s10 =	sld [smem:$0x3FB1];
	_ =	sdelay $0x3  }
0x34: {  	[smem:$0x3FB1] =	sst s10  }
0x35: {  	s10 =	sld [smem:$0x3FB0];
	_ =	sdelay $0x3  }
0x36: {  	p1 =	seq.s32 s10, $0x1;
	s10 =	sld [smem:$0x3FB1];
	_ =	sdelay $0x3  }
0x37: {  	[smem:$0x3FB1] =	sst s10  }
0x38: {  	s10 =	sld [smem:$0x3FB2]  }
0x39: {  	_ = 	snop;
	(pc) =	sbr.ind lr, $3  }
0x3a: {  	_ = 	snop  }
0x3b: {  	_ = 	snop  }
0x3c: {  	p2 =	seq.s32 s10, $0x1;
	s10 =	sld [smem:$0x3FB1]  }
0x3d: {  	_ =	shalt  }
0x3e: {  	_ =	shalt  }
0x3f: {  	_ =	shalt  }
0x40: {  	_ =	shalt  }
0x41: {  	_ =	shalt  }
0x42: {  	_ =	shalt  }
0x43: {  	_ =	shalt  }
0x44: {  	_ =	shalt  }
0x45: {  	_ =	shalt  }
0x46: {  	_ =	shalt  }
0x47: {  	_ =	shalt  }
0x48: {  	_ =	shalt  }
0x49: {  	_ =	shalt  }
0x4a: {  	_ =	shalt  }
0x4b: {  	_ =	shalt  }
0x4c: {  	_ =	shalt  }
0x4d: {  	_ =	shalt  }
0x4e: {  	_ =	shalt  }
0x4f: {  	_ =	shalt  }
0x50: {  	_ =	shalt  }
0x51: {  	_ =	shalt  }
0x52: {  	_ =	shalt  }
0x53: {  	_ =	shalt  }
0x54: {  	_ =	shalt  }
0x55: {  	_ =	shalt  }
0x56: {  	_ =	shalt  }
0x57: {  	_ =	shalt  }
0x58: {  	_ =	shalt  }
0x59: {  	_ =	shalt  }
0x5a: {  	_ =	shalt  }
0x5b: {  	_ =	shalt  }
0x5c: {  	_ =	shalt  }
0x5d: {  	_ =	shalt  }
0x5e: {  	_ =	shalt  }
0x5f: {  	_ =	shalt  }
0x60: {  	_ =	shalt  }
0x61: {  	_ =	shalt  }
0x62: {  	_ =	shalt  }
0x63: {  	_ =	shalt  }
0x64: {  	_ =	shalt  }
0x65: {  	_ =	shalt  }
0x66: {  	_ =	shalt  }
0x67: {  	_ =	shalt  }
0x68: {  	_ =	shalt  }
0x69: {  	_ =	shalt  }
0x6a: {  	_ =	shalt  }
0x6b: {  	_ =	shalt  }
0x6c: {  	_ =	shalt  }
0x6d: {  	_ =	shalt  }
0x6e: {  	_ =	shalt  }
0x6f: {  	_ =	shalt  }
0x70: {  	_ =	shalt  }
0x71: {  	_ =	shalt  }
0x72: {  	_ =	shalt  }
0x73: {  	_ =	shalt  }
0x74: {  	_ =	shalt  }
0x75: {  	_ =	shalt  }
0x76: {  	_ =	shalt  }
0x77: {  	_ =	shalt  }
0x78: {  	_ =	shalt  }
0x79: {  	_ =	shalt  }
0x7a: {  	_ =	shalt  }
0x7b: {  	_ =	shalt  }
0x7c: {  	_ =	shalt  }
0x7d: {  	_ =	shalt  }
0x7e: {  	_ =	shalt  }
0x7f: {  	_ =	shalt  }
0x80: {  	_ =	shalt  }
0x81: {  	_ =	shalt  }
0x82: {  	_ =	shalt  }
0x83: {  	_ =	shalt  }
0x84: {  	_ =	shalt  }
0x85: {  	_ =	shalt  }
0x86: {  	_ =	shalt  }
0x87: {  	_ =	shalt  }
.Lfunc_end0:
.L_simem_size_0:
called_computation.2_lowered:
.L_overlay_start_0:
0x88: {  	s2 =	sld [smem:$0x3FD9]  }
0x89: {  	s3 =	sld [smem:$0x3FFE];
	_ =	sdelay $0x1  }
0x8a: {  	s1 =	srdreg.scid  }
0x8b: {  	s0 =	sand.u32 $0x1, s1  }
0x8c: {  	s17 =	sshll.u32 s0, $0xA;
	s2 =	sadd.s32 s3, s2  }
0x8d: {  	s2 =	sadd.s32 s2, s17  }
0x8e: {  	[smem:$0x3FBD] =	sst s2  }
0x8f: {  	_ = 	snop  }
0x90: {  	s2 =	sld [smem:$0x3FC7];
	(tm) =	ssettm $0x1  }
0x91: {  	s18 =	sld [smem:$0x3FFB];
	_ =	sdelay $0x3  }
0x92: {  	_ =	strace s18  }
0x93: {  	s3 =	sld [smem:$0x3FFC];
	_ =	sdelay $0x3  }
0x94: {  	_ =	strace s3  }
0x95: {  	s3 =	sld [smem:$0x3FFD];
	_ =	sdelay $0x3  }
0x96: {  	_ =	strace s3  }
0x97: {  	_ =	strace $0x8FFFFFFF  }
0x98: {  	s19 =	sld [smem:$0x3FDB];
	_ =	sdelay $0x1  }
0x99: {  	s4 =	simm.s32 $_scs_section_size  }
0x9a: {  	s5 =	simm.s32 $_size__tile_overlayer_lowered;
	s6 =	simm.s32 $_tile_overlayer_lowered  }
0x9b: {  	s22 =	simm.s32 $0x1BFF;
	s21 =	sshll.u32 s6, $0x1;
	s3 =	sadd.s32 s4, s19  }
0x9c: {  	s7 =	simm.s32 $0x0;
	s20 =	sshll.u32 s5, $0x1;
	s5 =	sadd.s32 s21, s3  }
0x9d: {  	[timem:s7], [sflag:s22] =	dma.local [hbm:s5], s20  }
0x9e: {  	_ =	swait.ge [sflag:s22], s20  }
0x9f: {  	s4 =	ssub.s32 $0x0, s20;
	[sflag:s22] =	ssyncset.done $0x0  }
0xa0: {  	[sflag:s22] =	ssyncadd.s32 s4;
	_ =	sdelay $0x1  }
0xa1: {  	s23 =	simm.s32 $0x1B8B  }
0xa2: {  	_ =	swait.ge [sflag:s23], $0x1  }
0xa3: {  	[sflag:s23] =	ssyncset.done $0x0  }
0xa4: {  	s25 =	simm.s32 $0x1B8E;
	s24 =	sld [smem:$0x3FFE];
	[sflag:s23] =	ssyncadd.s32 $0xFFFFFFFF  }
0xa5: {  	s26 =	simm.s32 $execute0_lowered;
	[smem:$0x3FD2] =	sst s25  }
0xa6: {  	s5 =	sshll.u32 s26, $0x1;
	_ =	strace $0x8000004C;
	[dreg:$0x1] =	wrdreg $0xFFFFFFFF  }
0xa7: {  	s28 =	simm.s32 $_size_execute0_lowered;
	s3 =	sadd.s32 s3, s5;
	[dreg:$0x0] =	wrdreg $0x0  }
0xa8: {  	s5 =	sshll.u32 s28, $0x1;
	[dreg:$0x2] =	wrdreg s3  }
0xa9: {  	[dreg:$0x3] =	wrdreg s5  }
0xaa: {  	[dreg:$0x4] =	wrdreg $0xC0  }
0xab: {  	_ =	task [dreg:s7], $0x5FFFF  }
0xac: {  	[dreg:$0x1] =	wrdreg $0xFFFFFFFF  }
0xad: {  	[dreg:$0x0] =	wrdreg $0x60  }
0xae: {  	[dreg:$0x2] =	wrdreg s24  }
0xaf: {  	[dreg:$0x3] =	wrdreg s2  }
0xb0: {  	[dreg:$0x4] =	wrdreg $0x9  }
0xb1: {  	_ =	task.clear_ibuf [dreg:s7], $0x5FFFF;
	_ =	strace $0x9000004C  }
0xb2: {  	s29 =	simm.s32 $0x9;
	_ =	strace $0x8000004E  }
0xb3: {  	_ =	swait.ge [sflag:s29], $0x1  }
0xb4: {  	[sflag:s29] =	ssyncadd.s32 $0xFFFFFFFF  }
0xb5: {  	_ =	strace $0x9000004E  }
0xb6: {  	_ =	sfence  }
0xb7: {  	s30 =	sld [smem:$0x0];
	_ =	sdelay $0x2  }
0xb8: {  	s31 =	sshll.u32 s1, $0xD;
	s1 =	sshrl.u32 s1, $0x2  }
0xb9: {  	s3 =	sand.u32 $0x4000, s31;
	s1 =	sadd.s32 s1, s30  }
0xba: {  	s0 =	sor.u32 s3, s0;
	s1 =	sshll.u32 s1, $0x11  }
0xbb: {  	s0 =	sor.u32 s1, s0  }
0xbc: {  	s0 =	sadd.s32 $0x8F2B, s0  }
0xbd: {  	[sflag:s0] =	ssyncadd.remote.s32 $0x1  }
0xbe: {  	_ =	sfence.sel $0xFFFF  }
0xbf: {  	[dreg:$0x0] =	wrdreg $0xFFFFFFFF;
	(pc) =	sbr.abs _section_cstart, $3  }
0xc0: {  	[dreg:$0x1] =	wrdreg $0xFFFFFFFF  }
0xc1: {  	_ =	task.clear_ibuf [dreg:s7], $0x2FFFF;
	_ =	strace $0x9FFFFFFF  }
0xc2: {  	(tm) =	ssettm $0x7FFFFFFF  }
0xc3: {  	_ =	shalt  }
tec
execute0_lowered:
.L_overlay_start_1:
0x0: {  	(tag) =	ssettag $0x1  }
0x1: {  	s7 =	rddreg [dreg:$0x0];
	s1 =	srdreg.scid  }
0x2: {  	s0 =	stileid.u32;
	s2 =	rddreg [dreg:$0x1]  }
0x3: {  	s3 =	simm.s32 $0x0;
	s11 =	simm.s32 $0x18700;
	s12 =	simm.s32 $0x1AE80  }
0x4: {  	s13 =	simm.s32 $0x1D600;
	s5 =	sand.u32 $0x1, s1;
	s4 =	sshll.u32 s0, $0x1  }
0x5: {  	s14 =	simm.s32 $0xC380;
	s1 =	rddreg [dreg:$0x2];
	s4 =	sor.u32 s5, s4  }
0x6: {  	s15 =	simm.s32 $0x0;
	[smem:$0x7FF] =	sst s3;
	s4 =	smul.u32 $0xC350, s4  }
0x7: {  	s6 =	sadd.s32 $0x1A00, s7;
	_ =	strace $0x8000004D;
	s8 =	ssub.s32 $0x2, s5  }
0x8: {  	s5 =	sadd.s32 $0x32800, s7;
	s10 =	sshrl.u32 s8, $0x1;
	s9 =	sshrl.u32 s4, $0x3  }
0x9: {  	s10 =	ssub.s32 s8, s10;
	s9 =	sadd.s32 s9, s7;
	s7 =	sadd.s32 $0x63600, s7  }
0xa: {  	v0 =	vimm.f32 $0.0e+00;
	s8 =	sadd.s32 $0x65000, s9;
	s9 =	smax.u32 s10, $0x1;
	s10 =	simm.s32 $0x1  }
.LBB2_1:
0xb: {  	[tilespmem:s3], [sflag:$0x1] =	stream.linear.gather [hbm4b:s7+s3], $0xC380, $0x38;
	[tilespmem:$0x1FD80] =	vst v63  }
0xc: {  	_ =	swait.ge [sflag:s10], $0xC380  }
0xd: {  	[sflag:s10] =	ssyncset.done $0x0  }
0xe: {  	s16 =	simm.s32 $0x40;
	s17 =	simm.s32 $0x0;
	[sflag:s10] =	ssyncadd.s32 $0xFFFF3C80  }
.LBB2_2:
0xf: {  	p0 =	sne.s32 s16, $0x30D00;
	[tilespmem:s17+$0xC380] =	vst v0;
	s17 =	smov.u32 s16;
	s16 =	sadd.s32 $0x40, s16  }
.Ltmp0:
0x10: {  	(pc) =	sbr.rel @p0 .LBB2_2-.Ltmp0, $2  }
0x11: {  	_ =	sdelay $0x2  }
0x12: {  	s17 =	sshra.s32 s17, $0x2  }
0x13: {  	[tilespmem:s17+$0xC380] =	vst v0;
	s16 =	simm.s32 $0x0;
	s17 =	simm.s32 $0x0  }
.LBB2_4:
0x14: {  	s18 =	smul.u32 $0x2710, s17;
	_ =	sdelay $0x1  }
0x15: {  	s18 =	sadd.s32 s4, s18  }
0x16: {  	s18 =	sshrl.u32 s18, $0x3  }
0x17: {  	s19 =	sadd.s32 s5, s18  }
0x18: {  	[tilespmem:s11], [sflag:$0x1] =	stream.linear.gather [hbm4b:s19+s16], $0x2710, $0x38;
	[tilespmem:$0x1FD80] =	vst v63  }
0x19: {  	_ =	swait.ge [sflag:s10], $0x2710  }
0x1a: {  	[sflag:s10] =	ssyncset.done $0x0  }
0x1b: {  	s31 =	sadd.s32 s6, s18;
	[sflag:s10] =	ssyncadd.s32 $0xFFFFD8F0  }
0x1c: {  	[tilespmem:s12], [sflag:$0x1] =	stream.linear.gather [hbm4b:s31+s16], $0x2710, $0x38;
	[tilespmem:$0x1FD80] =	vst v63  }
0x1d: {  	_ =	swait.ge [sflag:s10], $0x2710  }
0x1e: {  	[sflag:s10] =	ssyncset.done $0x0  }
0x1f: {  	s18 =	sadd.s32 s2, s18;
	[sflag:s10] =	ssyncadd.s32 $0xFFFFD8F0  }
0x20: {  	[tilespmem:s13], [sflag:$0x1] =	stream.linear.gather [hbm4b:s18+s16], $0x2710, $0x38;
	[tilespmem:$0x1FD80] =	vst v63  }
0x21: {  	_ =	swait.ge [sflag:s10], $0x2710  }
0x22: {  	[sflag:s10] =	ssyncset.done $0x0  }
0x23: {  	s18 =	simm.s32 $0x0;
	[sflag:s10] =	ssyncadd.s32 $0xFFFFD8F0  }
.LBB2_5:
0x24: {  	s19 =	sshra.s32 s18, $0x2  }
0x25: {  	v1 =	vld [tilespmem:s19+$0x18700];
	_ =	sdelay $0x2  }
0x26: {  	v2 =	vld [tilespmem:s19+$0x18710]  }
0x27: {  	v3 =	vld [tilespmem:s19+$0x18720]  }
0x28: {  	v4 =	vld [tilespmem:s19+$0x18730]  }
0x29: {  	v5 =	vld [tilespmem:s19+$0x1AE80]  }
0x2a: {  	v6 =	vld [tilespmem:s19+$0x1D600]  }
0x2b: {  	v1 =	vld.idx.msk [tilespmem:v1+s3+$0x0], $0xffff  }
0x2c: {  	v7 =	vld [tilespmem:s19+$0x1D610]  }
0x2d: {  	v8 =	vld [tilespmem:s19+$0x1D620]  }
0x2e: {  	v63 =	vld [tilespmem:s19+$0x1D630]  }
0x2f: {  	v2 =	vld.idx.msk [tilespmem:v2+s3+$0x0], $0xffff  }
0x30: {  	v3 =	vld.idx.msk [tilespmem:v3+s3+$0x0], $0xffff;
	v1 =	vmul.f32 v6, v1  }
0x31: {  	v4 =	vld.idx.msk [tilespmem:v4+s3+$0x0], $0xffff  }
0x32: {  	[tilespmem:v5+s14+$0x0] =	vst.idx.add.f32.msk $0xffff, v1  }
0x33: {  	v1 =	vld [tilespmem:s19+$0x1AE90];
	_ =	sdelay $0x5  }
0x34: {  	v2 =	vmul.f32 v7, v2;
	_ =	sdelay $0x1  }
0x35: {  	[tilespmem:v1+s14+$0x0] =	vst.idx.add.f32.msk $0xffff, v2  }
0x36: {  	v1 =	vld [tilespmem:s19+$0x1AEA0];
	_ =	sdelay $0x5  }
0x37: {  	v2 =	vmul.f32 v8, v3;
	_ =	sdelay $0x1  }
0x38: {  	[tilespmem:v1+s14+$0x0] =	vst.idx.add.f32.msk $0xffff, v2  }
0x39: {  	v1 =	vld [tilespmem:s19+$0x1AEB0];
	_ =	sdelay $0x2  }
0x3a: {  	p0 =	sne.s32 s18, $0x9B00  }
.Ltmp1:
0x3b: {  	_ = 	snop;
	(pc) =	sbr.rel @p0 .LBB2_5-.Ltmp1, $3  }
0x3c: {  	_ = 	snop  }
0x3d: {  	v2 =	vmul.f32 v63, v4;
	_ =	sdelay $0x1  }
0x3e: {  	s18 =	sadd.s32 $0x100, s18;
	[tilespmem:v1+s14+$0x0] =	vst.idx.add.f32.msk $0xffff, v2  }
0x3f: {  	v1 =	vld [tilespmem:$0x1AE00];
	_ =	sdelay $0x5  }
0x40: {  	v2 =	vld [tilespmem:$0x1D580]  }
0x41: {  	v3 =	vld [tilespmem:$0x1FD00]  }
0x42: {  	v1 =	vld.idx.msk [tilespmem:v1+s3+$0x0], $0xffff  }
0x43: {  	s17 =	sadd.s32 $0x1, s17  }
0x44: {  	p0 =	sne.s32 s17, $0x5  }
.Ltmp2:
0x45: {  	_ = 	snop;
	(pc) =	sbr.rel @p0 .LBB2_4-.Ltmp2, $3  }
0x46: {  	_ = 	snop  }
0x47: {  	v1 =	vmul.f32 v3, v1;
	_ =	sdelay $0x1  }
0x48: {  	[tilespmem:v2+s14+$0x0] =	vst.idx.add.f32.msk $0xffff, v1  }
0x49: {  	s15 =	sadd.s32 $0x1, s15  }
0x4a: {  	p0 =	sne.s32 s15, s9  }
.Ltmp3:
0x4b: {  	_ = 	snop;
	(pc) =	sbr.rel @p0 .LBB2_1-.Ltmp3, $4  }
0x4c: {  	[hbm4b:s8+s3] =	stream.linear.scatter [tilespmem:s14], [sflag:$0x1], $0xC350, $0x38;
	[tilespmem:$0x1FD80] =	vst v63  }
0x4d: {  	_ =	swait.ge [sflag:s10], $0xC350  }
0x4e: {  	[sflag:s10] =	ssyncset.done $0x0  }
0x4f: {  	[sflag:s10] =	ssyncadd.s32 $0xFFFF3CB0  }
0x50: {  	_ =	sfence.sel $0x180000  }
0x51: {  	[bflag:$0x0] =	sbarrier.arrive $0xFFFF  }
0x52: {  	p0 =	sne.s32 s0, $0x0;
	_ =	strace $0x9000004D  }
0x53: {  	s0 =	sadd.s32 @!p0 $0x100000, s1;
	[bflag:$0x2] =	sbarrier.arrive $0xFFFF  }
0x54: {  	[sflag:s0] =	ssyncadd.tile.s32 @!p0 $0x1;
	_ =	shalt  }
.Lfunc_end2:
_tile_overlayer_lowered:
.L_overlay_start_2:
0x55: {  	(tag) =	ssettag $0x2  }
0x56: {  	s0 =	rddreg [dreg:$0x0];
	s2 =	stileid.u32  }
0x57: {  	s1 =	rddreg [dreg:$0x1];
	p0 =	sne.s32 s2, $0x0  }
0x58: {  	s3 =	rddreg [dreg:$0x2];
	[bflag:$0x3] =	sbarrier.arrive $0xFFFF;
	s2 =	simm.s32 @!p0 $0x1C01  }
0x59: {  	[timem:s3], [sflag:s2] =	dma.local @!p0 [hbm:s0], s1  }
0x5a: {  	s0 =	simm.s32 @!p0 $0x1  }
0x5b: {  	_ =	swait.ge @!p0 [sflag:s0], s1  }
0x5c: {  	s1 =	ssub.s32 @!p0 $0x0, s1;
	[sflag:s0] =	ssyncset.done @!p0 $0x0  }
0x5d: {  	[sflag:s0] =	ssyncadd.s32 @!p0 s1  }
0x5e: {  	[bflag:$0x3] =	sbarrier.arrive $0xFFFF  }
0x5f: {  	_ =	shalt  }

// kernel: kernel.8.cloned.1.call-start
scs
__scs_entry_jumppad:
0x0: {  	(pc) =	sbr.rel $0x88, $3  }
0x1: {  	(tag) =	ssettag $0x0;
	lr =	simm.s32 $0x1  }
0x2: {  	[smem:$0x3F96] =	sst lr;
	_ =	strace $0xD0000000  }
0x3: {  	_ = 	snop  }
0x4: {  	_ = 	snop  }
0x5: {  	_ = 	snop  }
0x6: {  	_ = 	snop  }
0x7: {  	_ = 	snop  }
__scs_overlays_trampoline_lowered:
0x8: {  	[smem:$0x3FA5] =	sst s0  }
0x9: {  	[smem:$0x3FA6] =	sst s1  }
0xa: {  	[smem:$0x3FA7] =	sst s2  }
0xb: {  	[smem:$0x3FA8] =	sst s3  }
0xc: {  	[smem:$0x3FA9] =	sst s4  }
0xd: {  	[smem:$0x3FAA] =	sst s5  }
0xe: {  	[smem:$0x3FAB] =	sst s6  }
0xf: {  	[smem:$0x3FAC] =	sst s7  }
0x10: {  	[smem:$0x3FAD] =	sst s8  }
0x11: {  	[smem:$0x3FAE] =	sst s9;
	s0 =	simm.s32 @!p0 $0x0  }
0x12: {  	s1 =	sld [smem:$0x3F94];
	s0 =	simm.s32 @p0 $0x1  }
0x13: {  	[smem:$0x3FAF] =	sst s0;
	s0 =	simm.s32 @!p1 $0x0  }
0x14: {  	s2 =	sld [smem:$0x3F93];
	s0 =	simm.s32 @p1 $0x1  }
0x15: {  	[smem:$0x3FB0] =	sst s0;
	s0 =	simm.s32 @!p2 $0x0  }
0x16: {  	s3 =	sld [smem:$0x3FDB];
	s0 =	simm.s32 @p2 $0x1  }
0x17: {  	s4 =	simm.s32 $0x1BF5;
	[smem:$0x3FB2] =	sst s0  }
0x18: {  	s0 =	sld [smem:$0x3F95];
	_ =	swait.ge [sflag:s4], $0x0  }
0x19: {  	s7 =	sld [smem:$0x3F96]  }
0x1a: {  	s8 =	sadd.s32 $0xFFFFE003, lr  }
0x1b: {  	s9 =	sadd.s32 $0xFFFFFEF7, lr;
	s5 =	simm.s32 $0xFFFFFFFF;
	p2 =	slt.u32 s8, $0xFFFFF086  }
0x1c: {  	p1 =	slt.u32 s9, $0xF7A;
	s5 =	simm.s32 @!p2 $0x0  }
0x1d: {  	s5 =	simm.s32 @p1 $0x1;
	p0 =	seq.s32 s7, s2  }
0x1e: {  	s7 =	smul.u32 @!p0 $0xF7A, s2;
	p2 =	seq.s32 @!p0 s5, $0x0  }
0x1f: {  	s9 =	smul.u32 $0xF7A, s1;
	s8 =	simm.s32 @!p0 $0x1BF5;
	p2 =	por !p2, p0  }
0x20: {  	[sflag:s8] =	ssyncset.s32 @!p0 $0xFFFFF086;
	s6 =	sadd.s32 @!p0 s3, s7;
	s7 =	simm.s32 @!p0 $0x108  }
0x21: {  	s3 =	sadd.s32 s3, s9;
	s6 =	sadd.s32 @!p0 $0x88, s6;
	s7 =	simm.s32 @p2 $0x1082  }
0x22: {  	[simem:s7], [sflag:s8] =	dma.local @!p0 [hbm:s6], $0xF7A  }
0x23: {  	s9 =	sor.u32 $0xD0000000, s2;
	s6 =	simm.s32 $0x108;
	_ =	swait.ge @!p0 [sflag:s8], $0x0  }
0x24: {  	s3 =	sadd.s32 $0x88, s3;
	s6 =	simm.s32 @!p1 $0x1082;
	[sflag:s4] =	ssyncset.s32 $0xFFFFF086  }
0x25: {  	[simem:s6], [sflag:s4] =	dma.local [hbm:s3], $0xF7A  }
0x26: {  	[smem:$0x3F96] =	sst s1;
	(tag) =	ssettag s2;
	_ =	strace s9  }
0x27: {  	s1 =	sld [smem:$0x3FA6]  }
0x28: {  	s2 =	sld [smem:$0x3FA7]  }
0x29: {  	s4 =	sld [smem:$0x3FA9]  }
0x2a: {  	p0 =	seq.s32 s5, $0x0;
	s5 =	sld [smem:$0x3FAA]  }
0x2b: {  	s6 =	sld [smem:$0x3FAB]  }
0x2c: {  	s7 =	sld [smem:$0x3FAC]  }
0x2d: {  	s3 =	simm.s32 $0x108;
	s8 =	sld [smem:$0x3FAD]  }
0x2e: {  	s3 =	simm.s32 @!p0 $0x1082;
	s9 =	sld [smem:$0x3FAE]  }
0x2f: {  	lr =	sadd.s32 s0, s3;
	s0 =	sld [smem:$0x3FA5]  }
0x30: {  	s3 =	sld [smem:$0x3FA8]  }
0x31: {  	[smem:$0x3FB1] =	sst s10  }
0x32: {  	s10 =	sld [smem:$0x3FAF];
	_ =	sdelay $0x3  }
0x33: {  	p0 =	seq.s32 s10, $0x1;
	s10 =	sld [smem:$0x3FB1];
	_ =	sdelay $0x3  }
0x34: {  	[smem:$0x3FB1] =	sst s10  }
0x35: {  	s10 =	sld [smem:$0x3FB0];
	_ =	sdelay $0x3  }
0x36: {  	p1 =	seq.s32 s10, $0x1;
	s10 =	sld [smem:$0x3FB1];
	_ =	sdelay $0x3  }
0x37: {  	[smem:$0x3FB1] =	sst s10  }
0x38: {  	s10 =	sld [smem:$0x3FB2]  }
0x39: {  	_ = 	snop;
	(pc) =	sbr.ind lr, $3  }
0x3a: {  	_ = 	snop  }
0x3b: {  	_ = 	snop  }
0x3c: {  	p2 =	seq.s32 s10, $0x1;
	s10 =	sld [smem:$0x3FB1]  }
0x3d: {  	_ =	shalt  }
0x3e: {  	_ =	shalt  }
0x3f: {  	_ =	shalt  }
0x40: {  	_ =	shalt  }
0x41: {  	_ =	shalt  }
0x42: {  	_ =	shalt  }
0x43: {  	_ =	shalt  }
0x44: {  	_ =	shalt  }
0x45: {  	_ =	shalt  }
0x46: {  	_ =	shalt  }
0x47: {  	_ =	shalt  }
0x48: {  	_ =	shalt  }
0x49: {  	_ =	shalt  }
0x4a: {  	_ =	shalt  }
0x4b: {  	_ =	shalt  }
0x4c: {  	_ =	shalt  }
0x4d: {  	_ =	shalt  }
0x4e: {  	_ =	shalt  }
0x4f: {  	_ =	shalt  }
0x50: {  	_ =	shalt  }
0x51: {  	_ =	shalt  }
0x52: {  	_ =	shalt  }
0x53: {  	_ =	shalt  }
0x54: {  	_ =	shalt  }
0x55: {  	_ =	shalt  }
0x56: {  	_ =	shalt  }
0x57: {  	_ =	shalt  }
0x58: {  	_ =	shalt  }
0x59: {  	_ =	shalt  }
0x5a: {  	_ =	shalt  }
0x5b: {  	_ =	shalt  }
0x5c: {  	_ =	shalt  }
0x5d: {  	_ =	shalt  }
0x5e: {  	_ =	shalt  }
0x5f: {  	_ =	shalt  }
0x60: {  	_ =	shalt  }
0x61: {  	_ =	shalt  }
0x62: {  	_ =	shalt  }
0x63: {  	_ =	shalt  }
0x64: {  	_ =	shalt  }
0x65: {  	_ =	shalt  }
0x66: {  	_ =	shalt  }
0x67: {  	_ =	shalt  }
0x68: {  	_ =	shalt  }
0x69: {  	_ =	shalt  }
0x6a: {  	_ =	shalt  }
0x6b: {  	_ =	shalt  }
0x6c: {  	_ =	shalt  }
0x6d: {  	_ =	shalt  }
0x6e: {  	_ =	shalt  }
0x6f: {  	_ =	shalt  }
0x70: {  	_ =	shalt  }
0x71: {  	_ =	shalt  }
0x72: {  	_ =	shalt  }
0x73: {  	_ =	shalt  }
0x74: {  	_ =	shalt  }
0x75: {  	_ =	shalt  }
0x76: {  	_ =	shalt  }
0x77: {  	_ =	shalt  }
0x78: {  	_ =	shalt  }
0x79: {  	_ =	shalt  }
0x7a: {  	_ =	shalt  }
0x7b: {  	_ =	shalt  }
0x7c: {  	_ =	shalt  }
0x7d: {  	_ =	shalt  }
0x7e: {  	_ =	shalt  }
0x7f: {  	_ =	shalt  }
0x80: {  	_ =	shalt  }
0x81: {  	_ =	shalt  }
0x82: {  	_ =	shalt  }
0x83: {  	_ =	shalt  }
0x84: {  	_ =	shalt  }
0x85: {  	_ =	shalt  }
0x86: {  	_ =	shalt  }
0x87: {  	_ =	shalt  }
.Lfunc_end0:
.L_simem_size_0:
called_computation_lowered:
.L_overlay_start_0:
0x88: {  	s2 =	sld [smem:$0x3FD9]  }
0x89: {  	s3 =	sld [smem:$0x3FFE];
	_ =	sdelay $0x1  }
0x8a: {  	s1 =	srdreg.scid  }
0x8b: {  	s0 =	sand.u32 $0x1, s1  }
0x8c: {  	s17 =	sshll.u32 s0, $0xA;
	s2 =	sadd.s32 s3, s2  }
0x8d: {  	s2 =	sadd.s32 s2, s17  }
0x8e: {  	[smem:$0x3FBD] =	sst s2  }
0x8f: {  	_ = 	snop  }
0x90: {  	s2 =	sld [smem:$0x3FC7];
	(tm) =	ssettm $0x1  }
0x91: {  	s18 =	sld [smem:$0x3FFB];
	_ =	sdelay $0x3  }
0x92: {  	_ =	strace s18  }
0x93: {  	s3 =	sld [smem:$0x3FFC];
	_ =	sdelay $0x3  }
0x94: {  	_ =	strace s3  }
0x95: {  	s3 =	sld [smem:$0x3FFD];
	_ =	sdelay $0x3  }
0x96: {  	_ =	strace s3  }
0x97: {  	_ =	strace $0x8FFFFFFF  }
0x98: {  	s19 =	sld [smem:$0x3FDB];
	_ =	sdelay $0x1  }
0x99: {  	s4 =	simm.s32 $_scs_section_size  }
0x9a: {  	s5 =	simm.s32 $_size__tile_overlayer_lowered;
	s6 =	simm.s32 $_tile_overlayer_lowered  }
0x9b: {  	s22 =	simm.s32 $0x1BFF;
	s21 =	sshll.u32 s6, $0x1;
	s3 =	sadd.s32 s4, s19  }
0x9c: {  	s7 =	simm.s32 $0x0;
	s20 =	sshll.u32 s5, $0x1;
	s5 =	sadd.s32 s21, s3  }
0x9d: {  	[timem:s7], [sflag:s22] =	dma.local [hbm:s5], s20  }
0x9e: {  	_ =	swait.ge [sflag:s22], s20  }
0x9f: {  	s4 =	ssub.s32 $0x0, s20;
	[sflag:s22] =	ssyncset.done $0x0  }
0xa0: {  	[sflag:s22] =	ssyncadd.s32 s4;
	_ =	sdelay $0x1  }
0xa1: {  	s23 =	simm.s32 $0x1B8B  }
0xa2: {  	_ =	swait.ge [sflag:s23], $0x1  }
0xa3: {  	[sflag:s23] =	ssyncset.done $0x0  }
0xa4: {  	s25 =	simm.s32 $0x1B8E;
	s24 =	sld [smem:$0x3FFE];
	[sflag:s23] =	ssyncadd.s32 $0xFFFFFFFF  }
0xa5: {  	s26 =	simm.s32 $execute0_lowered;
	[smem:$0x3FD2] =	sst s25  }
0xa6: {  	s5 =	sshll.u32 s26, $0x1;
	_ =	strace $0x80000046;
	[dreg:$0x1] =	wrdreg $0xFFFFFFFF  }
0xa7: {  	s28 =	simm.s32 $_size_execute0_lowered;
	s3 =	sadd.s32 s3, s5;
	[dreg:$0x0] =	wrdreg $0x0  }
0xa8: {  	s5 =	sshll.u32 s28, $0x1;
	[dreg:$0x2] =	wrdreg s3  }
0xa9: {  	[dreg:$0x3] =	wrdreg s5  }
0xaa: {  	[dreg:$0x4] =	wrdreg $0xC0  }
0xab: {  	_ =	task [dreg:s7], $0x5FFFF  }
0xac: {  	[dreg:$0x1] =	wrdreg $0xFFFFFFFF  }
0xad: {  	[dreg:$0x0] =	wrdreg $0x60  }
0xae: {  	[dreg:$0x2] =	wrdreg s24  }
0xaf: {  	[dreg:$0x3] =	wrdreg s2  }
0xb0: {  	[dreg:$0x4] =	wrdreg $0x9  }
0xb1: {  	_ =	task.clear_ibuf [dreg:s7], $0x5FFFF;
	_ =	strace $0x90000046  }
0xb2: {  	s29 =	simm.s32 $0x9;
	_ =	strace $0x80000048  }
0xb3: {  	_ =	swait.ge [sflag:s29], $0x1  }
0xb4: {  	[sflag:s29] =	ssyncadd.s32 $0xFFFFFFFF  }
0xb5: {  	_ =	strace $0x90000048  }
0xb6: {  	_ =	sfence  }
0xb7: {  	s30 =	sld [smem:$0x0];
	_ =	sdelay $0x2  }
0xb8: {  	s31 =	sshll.u32 s1, $0xD;
	s1 =	sshrl.u32 s1, $0x2  }
0xb9: {  	s3 =	sand.u32 $0x4000, s31;
	s1 =	sadd.s32 s1, s30  }
0xba: {  	s0 =	sor.u32 s3, s0;
	s1 =	sshll.u32 s1, $0x11  }
0xbb: {  	s0 =	sor.u32 s1, s0  }
0xbc: {  	s0 =	sadd.s32 $0x8F2B, s0  }
0xbd: {  	[sflag:s0] =	ssyncadd.remote.s32 $0x1  }
0xbe: {  	_ =	sfence.sel $0xFFFF  }
0xbf: {  	[dreg:$0x0] =	wrdreg $0xFFFFFFFF;
	(pc) =	sbr.abs _section_cstart, $3  }
0xc0: {  	[dreg:$0x1] =	wrdreg $0xFFFFFFFF  }
0xc1: {  	_ =	task.clear_ibuf [dreg:s7], $0x2FFFF;
	_ =	strace $0x9FFFFFFF  }
0xc2: {  	(tm) =	ssettm $0x7FFFFFFF  }
0xc3: {  	_ =	shalt  }
tec
execute0_lowered:
.L_overlay_start_1:
0x0: {  	(tag) =	ssettag $0x1  }
0x1: {  	s1 =	srdreg.scid  }
0x2: {  	s0 =	stileid.u32;
	s6 =	rddreg [dreg:$0x0]  }
0x3: {  	s2 =	rddreg [dreg:$0x1];
	s5 =	sand.u32 $0x1, s1;
	s31 =	sshll.u32 s0, $0x1  }
0x4: {  	s3 =	simm.s32 $0x0;
	s10 =	simm.s32 $0xEB00;
	s4 =	sor.u32 s5, s31  }
0x5: {  	s11 =	simm.s32 $0x0;
	[smem:$0x7FF] =	sst s3;
	s4 =	smul.u32 $0xC350, s4  }
0x6: {  	s1 =	rddreg [dreg:$0x2];
	s7 =	ssub.s32 $0x2, s5;
	_ =	strace $0x80000047  }
0x7: {  	s5 =	sadd.s32 $0x1A00, s6;
	s9 =	sshrl.u32 s7, $0x1;
	s8 =	sshrl.u32 s4, $0x3  }
0x8: {  	s7 =	ssub.s32 s7, s9;
	s9 =	simm.s32 $0x1;
	s6 =	sadd.s32 s8, s6  }
0x9: {  	v0 =	vimm.f32 $0.0e+00;
	s7 =	smax.u32 s7, $0x1;
	s8 =	simm.s32 $0xC380;
	s6 =	sadd.s32 $0x63600, s6  }
.LBB2_1:
0xa: {  	s12 =	simm.s32 $0x40;
	s13 =	simm.s32 $0x0  }
.LBB2_2:
0xb: {  	p0 =	sne.s32 s12, $0x30D00;
	[tilespmem:s13+$0x0] =	vst v0;
	s13 =	smov.u32 s12;
	s12 =	sadd.s32 $0x40, s12  }
.Ltmp0:
0xc: {  	(pc) =	sbr.rel @p0 .LBB2_2-.Ltmp0, $2  }
0xd: {  	_ =	sdelay $0x2  }
0xe: {  	s13 =	sshra.s32 s13, $0x2  }
0xf: {  	[tilespmem:s13+$0x0] =	vst v0;
	s12 =	simm.s32 $0x0;
	s13 =	simm.s32 $0x0  }
.LBB2_4:
0x10: {  	s14 =	smul.u32 $0x2710, s13;
	_ =	sdelay $0x1  }
0x11: {  	s14 =	sadd.s32 s4, s14  }
0x12: {  	s14 =	sshrl.u32 s14, $0x3  }
0x13: {  	s15 =	sadd.s32 s5, s14  }
0x14: {  	[tilespmem:s8], [sflag:$0x1] =	stream.linear.gather [hbm4b:s15+s12], $0x2710, $0x38;
	[tilespmem:$0x11280] =	vst v63  }
0x15: {  	_ =	swait.ge [sflag:s9], $0x2710  }
0x16: {  	[sflag:s9] =	ssyncset.done $0x0  }
0x17: {  	s14 =	sadd.s32 s2, s14;
	[sflag:s9] =	ssyncadd.s32 $0xFFFFD8F0  }
0x18: {  	[tilespmem:s10], [sflag:$0x1] =	stream.linear.gather [hbm4b:s14+s12], $0x2710, $0x38;
	[tilespmem:$0x11280] =	vst v63  }
0x19: {  	_ =	swait.ge [sflag:s9], $0x2710  }
0x1a: {  	[sflag:s9] =	ssyncset.done $0x0  }
0x1b: {  	s14 =	simm.s32 $0x0;
	[sflag:s9] =	ssyncadd.s32 $0xFFFFD8F0  }
.LBB2_5:
0x1c: {  	s15 =	sshra.s32 s14, $0x2  }
0x1d: {  	v1 =	vld [tilespmem:s15+$0xC380];
	_ =	sdelay $0x2  }
0x1e: {  	v2 =	vld [tilespmem:s15+$0xEB00];
	_ =	sdelay $0x4  }
0x1f: {  	[tilespmem:v1+s3+$0x0] =	vst.idx.add.f32.msk $0xffff, v2  }
0x20: {  	v1 =	vld [tilespmem:s15+$0xC390];
	_ =	sdelay $0x2  }
0x21: {  	v2 =	vld [tilespmem:s15+$0xEB10];
	_ =	sdelay $0x4  }
0x22: {  	[tilespmem:v1+s3+$0x0] =	vst.idx.add.f32.msk $0xffff, v2  }
0x23: {  	v1 =	vld [tilespmem:s15+$0xC3A0];
	_ =	sdelay $0x2  }
0x24: {  	v2 =	vld [tilespmem:s15+$0xEB20];
	_ =	sdelay $0x4  }
0x25: {  	[tilespmem:v1+s3+$0x0] =	vst.idx.add.f32.msk $0xffff, v2  }
0x26: {  	v1 =	vld [tilespmem:s15+$0xC3B0];
	_ =	sdelay $0x2  }
0x27: {  	p0 =	sne.s32 s14, $0x9B00;
	v2 =	vld [tilespmem:s15+$0xEB30]  }
.Ltmp1:
0x28: {  	_ = 	snop;
	(pc) =	sbr.rel @p0 .LBB2_5-.Ltmp1, $2  }
0x29: {  	_ =	sdelay $0x2  }
0x2a: {  	s14 =	sadd.s32 $0x100, s14;
	[tilespmem:v1+s3+$0x0] =	vst.idx.add.f32.msk $0xffff, v2  }
0x2b: {  	v1 =	vld [tilespmem:$0xEA80];
	_ =	sdelay $0x1  }
0x2c: {  	s13 =	sadd.s32 $0x1, s13  }
0x2d: {  	v2 =	vld [tilespmem:$0x11200];
	p0 =	sne.s32 s13, $0x5  }
.Ltmp2:
0x2e: {  	_ = 	snop;
	(pc) =	sbr.rel @p0 .LBB2_4-.Ltmp2, $2  }
0x2f: {  	_ =	sdelay $0x2  }
0x30: {  	[tilespmem:v1+s3+$0x0] =	vst.idx.add.f32.msk $0xffff, v2  }
0x31: {  	s11 =	sadd.s32 $0x1, s11  }
0x32: {  	p0 =	sne.s32 s11, s7  }
.Ltmp3:
0x33: {  	_ = 	snop;
	(pc) =	sbr.rel @p0 .LBB2_1-.Ltmp3, $4  }
0x34: {  	[hbm4b:s6+s3] =	stream.linear.scatter [tilespmem:s3], [sflag:$0x1], $0xC350, $0x38;
	[tilespmem:$0x11280] =	vst v63  }
0x35: {  	_ =	swait.ge [sflag:s9], $0xC350  }
0x36: {  	[sflag:s9] =	ssyncset.done $0x0  }
0x37: {  	[sflag:s9] =	ssyncadd.s32 $0xFFFF3CB0  }
0x38: {  	_ =	sfence.sel $0x180000  }
0x39: {  	[bflag:$0x0] =	sbarrier.arrive $0xFFFF  }
0x3a: {  	p0 =	sne.s32 s0, $0x0;
	_ =	strace $0x90000047  }
0x3b: {  	s0 =	sadd.s32 @!p0 $0x100000, s1;
	[bflag:$0x2] =	sbarrier.arrive $0xFFFF  }
0x3c: {  	[sflag:s0] =	ssyncadd.tile.s32 @!p0 $0x1;
	_ =	shalt  }
.Lfunc_end2:
_tile_overlayer_lowered:
.L_overlay_start_2:
0x3d: {  	(tag) =	ssettag $0x2  }
0x3e: {  	s0 =	rddreg [dreg:$0x0];
	s2 =	stileid.u32  }
0x3f: {  	s1 =	rddreg [dreg:$0x1];
	p0 =	sne.s32 s2, $0x0  }
0x40: {  	s3 =	rddreg [dreg:$0x2];
	[bflag:$0x3] =	sbarrier.arrive $0xFFFF;
	s2 =	simm.s32 @!p0 $0x1C01  }
0x41: {  	[timem:s3], [sflag:s2] =	dma.local @!p0 [hbm:s0], s1  }
0x42: {  	s0 =	simm.s32 @!p0 $0x1  }
0x43: {  	_ =	swait.ge @!p0 [sflag:s0], s1  }
0x44: {  	s1 =	ssub.s32 @!p0 $0x0, s1;
	[sflag:s0] =	ssyncset.done @!p0 $0x0  }
0x45: {  	[sflag:s0] =	ssyncadd.s32 @!p0 s1  }
0x46: {  	[bflag:$0x3] =	sbarrier.arrive $0xFFFF  }
0x47: {  	_ =	shalt  }

</sc_bundles>
